<compile_context>
chip_gen: v7x
topology: tpu7x:2x2x1
jax: 0.10.2.dev20260603
libtpu: 0.0.44.dev20260713+nightly
codegen_flags: <defaults>
</compile_context>

<pallas_src>
import functools

import jax
import jax.numpy as jnp
from jax import lax
from jax.experimental import pallas as pl
from jax.experimental.pallas import tpu as pltpu
from jax.experimental.pallas import tpu_sc as plsc

_NC = 2
_NS = 16
_NW = _NC * _NS
_C = 120
_NBUF = 4


@functools.lru_cache(maxsize=None)
def _build(V, D, B, r):
    nfull = r // _C
    tail = r - nfull * _C
    nchunk = nfull + (1 if tail else 0)
    ngroup = -(-nchunk // _NBUF)
    nchunk_p = ngroup * _NBUF
    sizes = [0] * nchunk_p
    for kk in range(nchunk):
        sizes[kk] = _C
    if tail:
        sizes[nchunk - 1] = tail
    mesh = plsc.VectorSubcoreMesh(core_axis_name="c", subcore_axis_name="s")

    @functools.partial(
        pl.kernel,
        mesh=mesh,
        out_type=jax.ShapeDtypeStruct((B, D), jnp.float32),
        scratch_types=[
            pltpu.VMEM((nchunk_p * _C,), jnp.int32),
            pltpu.VMEM((_NBUF, _C, D), jnp.float32),
            pltpu.VMEM_SHARED((V, D), jnp.float32),
        ] + [pltpu.SemaphoreType.DMA] * (2 * _NBUF + 1),
    )
    def k(idx_hbm, table_hbm, out_hbm, idx_v, rows_v, table_sh, *sems):
        gsems, wsems, tsem = sems[:_NBUF], sems[_NBUF:2 * _NBUF], sems[-1]
        sid = lax.axis_index("s")
        wid = sid * _NC + lax.axis_index("c")
        base = pl.multiple_of(jnp.minimum(wid * r, B - r), 8)

        @pl.when(sid == 0)
        def _():
            pltpu.make_async_copy(table_hbm, table_sh, tsem).start()

        if nchunk_p * _C > r:
            for off in range((r // 16) * 16, nchunk_p * _C, 16):
                idx_v[pl.ds(off, 16)] = jnp.zeros((16,), jnp.int32)
        pltpu.sync_copy(idx_hbm.at[pl.ds(base, r)], idx_v.at[pl.ds(0, r)])

        @pl.when(sid == 0)
        def _():
            pltpu.make_async_copy(table_hbm, table_sh, tsem).wait()

        plsc.subcore_barrier()

        def gather(kk, b):
            off = pl.multiple_of(kk * _C, 8)
            pltpu.make_async_copy(
                table_sh.at[idx_v.at[pl.ds(off, _C)]],
                rows_v.at[b], gsems[b]).start()

        def gather_wait(b):
            pltpu.make_async_copy(
                table_sh.at[idx_v.at[pl.ds(0, _C)]],
                rows_v.at[b], gsems[b]).wait()

        def write(kk, b, size):
            off = pl.multiple_of(base + kk * _C, 8)
            pltpu.make_async_copy(
                rows_v.at[b, pl.ds(0, size)],
                out_hbm.at[pl.ds(off, size)], wsems[b]).start()

        def write_wait(b, size):
            pltpu.make_async_copy(
                rows_v.at[b, pl.ds(0, size)],
                out_hbm.at[pl.ds(base, size)], wsems[b]).wait()

        for b in range(_NBUF):
            gather(b, b)

        def body(g, _):
            for b in range(_NBUF):
                gather_wait(b)
                write(g * _NBUF + b, b, _C)
            for b in range(_NBUF):
                write_wait(b, _C)
                gather((g + 1) * _NBUF + b, b)
            return ()

        lax.fori_loop(0, ngroup - 1, body, ())

        for b in range(_NBUF):
            kk = (ngroup - 1) * _NBUF + b
            gather_wait(b)
            if sizes[kk]:
                write(kk, b, sizes[kk])
        for b in range(_NBUF):
            kk = (ngroup - 1) * _NBUF + b
            if sizes[kk]:
                write_wait(b, sizes[kk])

    return k


def kernel(node_species, embedding):
    B = node_species.shape[0]
    V, D = embedding.shape
    idx = node_species.astype(jnp.int32)
    r = -(-(-(-B // _NW)) // 8) * 8
    if B % 8 or B < r:
        Bp = _NW * r
        idxp = jnp.pad(idx, (0, Bp - B))
        out = _build(V, D, Bp, r)(idxp, embedding)
        return out[:B]
    return _build(V, D, B, r)(idx, embedding)

# --- scband reference (transcript-rebuilt; emitter-appended) ---
"""Pipeline reference for scband-linear-node-embedding-50843822850732 (READ-ONLY COPY).

The authoritative reference and input builder live on the scoring server;
editing this copy changes nothing except your own understanding.
"""

import jax, jax.numpy as jnp
import numpy as np

NUM_SPECIES = 89
EMBED_DIM = 128  # E3Irreps('128x0e').filter('0e').regroup().dim == 128
N_NODES = 100000

def setup_inputs(seed: int = 0) -> dict:
    key = jax.random.key(seed)
    k1, k2 = jax.random.split(key)
    node_species = jax.random.randint(k1, (N_NODES,), 0, NUM_SPECIES, dtype=jnp.int64 if jax.config.jax_enable_x64 else jnp.int32)
    # flax nn.Embed default init: normal(stddev=1.0) scaled; use normal for faithfulness
    embedding = jax.random.normal(k2, (NUM_SPECIES, EMBED_DIM), dtype=jnp.float32)
    return {"node_species": node_species, "embedding": embedding}

def reference(node_species, embedding):
    # LinearNodeEmbedding.__call__: self.embed(node_species)
    # nn.Embed lookup == jnp.take(table, idx, axis=0)
    out = jnp.take(embedding, node_species, axis=0)
    # E3IrrepsArray(irreps, out) just wraps the array; the underlying data is `out`
    return out

if __name__ == "__main__":
    import jax
    _d = setup_inputs()
    print(jax.jit(kernel)(*tuple(_d.values())))

</pallas_src>

<mosaic_0001>
#map = affine_map<(d0, d1) -> (0)>
#map1 = affine_map<(d0, d1) -> (0, 0)>
module attributes {stable_mosaic.version = 14 : i64} {
  func.func @k(%arg0: i32, %arg1: i32, %arg2: memref<100000xi32, #tpu.memory_space<hbm>>, %arg3: memref<89x128xf32, #tpu.memory_space<hbm>>, %arg4: memref<100000x128xf32, #tpu.memory_space<hbm>>, %arg5: memref<3360xi32, #tpu.memory_space<vmem>>, %arg6: memref<4x120x128xf32, #tpu.memory_space<vmem>>, %arg7: memref<89x128xf32, #tpu.memory_space<vmem_shared>>, %arg8: memref<!tpu.dma_semaphore, #tpu.memory_space<semaphore_mem>>, %arg9: memref<!tpu.dma_semaphore, #tpu.memory_space<semaphore_mem>>, %arg10: memref<!tpu.dma_semaphore, #tpu.memory_space<semaphore_mem>>, %arg11: memref<!tpu.dma_semaphore, #tpu.memory_space<semaphore_mem>>, %arg12: memref<!tpu.dma_semaphore, #tpu.memory_space<semaphore_mem>>, %arg13: memref<!tpu.dma_semaphore, #tpu.memory_space<semaphore_mem>>, %arg14: memref<!tpu.dma_semaphore, #tpu.memory_space<semaphore_mem>>, %arg15: memref<!tpu.dma_semaphore, #tpu.memory_space<semaphore_mem>>, %arg16: memref<!tpu.dma_semaphore, #tpu.memory_space<semaphore_mem>>) attributes {dimension_semantics = [#tpu.dimension_semantics<core_parallel>, #tpu.dimension_semantics<subcore_parallel>], iteration_bounds = array<i64: 2, 16>, scalar_prefetch = 0 : i64, scratch_operands = 12 : i64, tpu.core_type = #tpu.core_type<sc_vector_subcore>, window_params = [{transform_indices = #map}, {transform_indices = #map1}, {transform_indices = #map1}]} {
    %mul3A = arith.constant 2 : i32
    %mul3A_0 = arith.muli %arg1, %mul3A : i32
    %add3A = arith.addi %mul3A_0, %arg0 : i32
    %mul3A_1 = arith.constant 3128 : i32
    %mul3A_2 = arith.muli %add3A, %mul3A_1 : i32
    %min3A = arith.constant 96872 : i32
    %min3A_3 = arith.minsi %mul3A_2, %min3A : i32
    %multiple_of3A = tpu.assume_multiple %min3A_3, 8 : i32
    %eq3A = arith.constant 0 : i32
    %eq3A_4 = arith.cmpi eq, %arg1, %eq3A : i32
    %convert_element_type3A = arith.extui %eq3A_4 : i1 to i32
    %cond3A = arith.constant 0 : i32
    %cond3A_5 = arith.cmpi ne, %convert_element_type3A, %cond3A : i32
    scf.if %cond3A_5 {
      tpu.enqueue_dma source(%arg3 : memref<89x128xf32, #tpu.memory_space<hbm>>) target(%arg7 : memref<89x128xf32, #tpu.memory_space<vmem_shared>>) target_semaphore(%arg16 : memref<!tpu.dma_semaphore, #tpu.memory_space<semaphore_mem>>)
    } else {
    }
    %broadcast_in_dim3A = arith.constant 0 : i32
    %broadcast_in_dim3A_6 = vector.broadcast %broadcast_in_dim3A : i32 to vector<16xi32>
    %swap3A = arith.constant 3120 : index
    %swap3A_7 = tpu.vector_load %arg5[%swap3A] {strides = array<i32>} : memref<3360xi32, #tpu.memory_space<vmem>>, vector<16xi32>,
    %swap3A_8 = vector.shape_cast %swap3A_7 : vector<16xi32> to vector<16xi32>
    %swap3A_9 = vector.shape_cast %broadcast_in_dim3A_6 : vector<16xi32> to vector<16xi32>
    tpu.vector_store %arg5[%swap3A], %swap3A_9 {strides = array<i32>} : memref<3360xi32, #tpu.memory_space<vmem>>, vector<16xi32>,
    %broadcast_in_dim3A_10 = arith.constant 0 : i32
    %broadcast_in_dim3A_11 = vector.broadcast %broadcast_in_dim3A_10 : i32 to vector<16xi32>
    %swap3A_12 = arith.constant 3136 : index
    %swap3A_13 = tpu.vector_load %arg5[%swap3A_12] {strides = array<i32>} : memref<3360xi32, #tpu.memory_space<vmem>>, vector<16xi32>,
    %swap3A_14 = vector.shape_cast %swap3A_13 : vector<16xi32> to vector<16xi32>
    %swap3A_15 = vector.shape_cast %broadcast_in_dim3A_11 : vector<16xi32> to vector<16xi32>
    tpu.vector_store %arg5[%swap3A_12], %swap3A_15 {strides = array<i32>} : memref<3360xi32, #tpu.memory_space<vmem>>, vector<16xi32>,
    %broadcast_in_dim3A_16 = arith.constant 0 : i32
    %broadcast_in_dim3A_17 = vector.broadcast %broadcast_in_dim3A_16 : i32 to vector<16xi32>
    %swap3A_18 = arith.constant 3152 : index
    %swap3A_19 = tpu.vector_load %arg5[%swap3A_18] {strides = array<i32>} : memref<3360xi32, #tpu.memory_space<vmem>>, vector<16xi32>,
    %swap3A_20 = vector.shape_cast %swap3A_19 : vector<16xi32> to vector<16xi32>
    %swap3A_21 = vector.shape_cast %broadcast_in_dim3A_17 : vector<16xi32> to vector<16xi32>
    tpu.vector_store %arg5[%swap3A_18], %swap3A_21 {strides = array<i32>} : memref<3360xi32, #tpu.memory_space<vmem>>, vector<16xi32>,
    %broadcast_in_dim3A_22 = arith.constant 0 : i32
    %broadcast_in_dim3A_23 = vector.broadcast %broadcast_in_dim3A_22 : i32 to vector<16xi32>
    %swap3A_24 = arith.constant 3168 : index
    %swap3A_25 = tpu.vector_load %arg5[%swap3A_24] {strides = array<i32>} : memref<3360xi32, #tpu.memory_space<vmem>>, vector<16xi32>,
    %swap3A_26 = vector.shape_cast %swap3A_25 : vector<16xi32> to vector<16xi32>
    %swap3A_27 = vector.shape_cast %broadcast_in_dim3A_23 : vector<16xi32> to vector<16xi32>
    tpu.vector_store %arg5[%swap3A_24], %swap3A_27 {strides = array<i32>} : memref<3360xi32, #tpu.memory_space<vmem>>, vector<16xi32>,
    %broadcast_in_dim3A_28 = arith.constant 0 : i32
    %broadcast_in_dim3A_29 = vector.broadcast %broadcast_in_dim3A_28 : i32 to vector<16xi32>
    %swap3A_30 = arith.constant 3184 : index
    %swap3A_31 = tpu.vector_load %arg5[%swap3A_30] {strides = array<i32>} : memref<3360xi32, #tpu.memory_space<vmem>>, vector<16xi32>,
    %swap3A_32 = vector.shape_cast %swap3A_31 : vector<16xi32> to vector<16xi32>
    %swap3A_33 = vector.shape_cast %broadcast_in_dim3A_29 : vector<16xi32> to vector<16xi32>
    tpu.vector_store %arg5[%swap3A_30], %swap3A_33 {strides = array<i32>} : memref<3360xi32, #tpu.memory_space<vmem>>, vector<16xi32>,
    %broadcast_in_dim3A_34 = arith.constant 0 : i32
    %broadcast_in_dim3A_35 = vector.broadcast %broadcast_in_dim3A_34 : i32 to vector<16xi32>
    %swap3A_36 = arith.constant 3200 : index
    %swap3A_37 = tpu.vector_load %arg5[%swap3A_36] {strides = array<i32>} : memref<3360xi32, #tpu.memory_space<vmem>>, vector<16xi32>,
    %swap3A_38 = vector.shape_cast %swap3A_37 : vector<16xi32> to vector<16xi32>
    %swap3A_39 = vector.shape_cast %broadcast_in_dim3A_35 : vector<16xi32> to vector<16xi32>
    tpu.vector_store %arg5[%swap3A_36], %swap3A_39 {strides = array<i32>} : memref<3360xi32, #tpu.memory_space<vmem>>, vector<16xi32>,
    %broadcast_in_dim3A_40 = arith.constant 0 : i32
    %broadcast_in_dim3A_41 = vector.broadcast %broadcast_in_dim3A_40 : i32 to vector<16xi32>
    %swap3A_42 = arith.constant 3216 : index
    %swap3A_43 = tpu.vector_load %arg5[%swap3A_42] {strides = array<i32>} : memref<3360xi32, #tpu.memory_space<vmem>>, vector<16xi32>,
    %swap3A_44 = vector.shape_cast %swap3A_43 : vector<16xi32> to vector<16xi32>
    %swap3A_45 = vector.shape_cast %broadcast_in_dim3A_41 : vector<16xi32> to vector<16xi32>
    tpu.vector_store %arg5[%swap3A_42], %swap3A_45 {strides = array<i32>} : memref<3360xi32, #tpu.memory_space<vmem>>, vector<16xi32>,
    %broadcast_in_dim3A_46 = arith.constant 0 : i32
    %broadcast_in_dim3A_47 = vector.broadcast %broadcast_in_dim3A_46 : i32 to vector<16xi32>
    %swap3A_48 = arith.constant 3232 : index
    %swap3A_49 = tpu.vector_load %arg5[%swap3A_48] {strides = array<i32>} : memref<3360xi32, #tpu.memory_space<vmem>>, vector<16xi32>,
    %swap3A_50 = vector.shape_cast %swap3A_49 : vector<16xi32> to vector<16xi32>
    %swap3A_51 = vector.shape_cast %broadcast_in_dim3A_47 : vector<16xi32> to vector<16xi32>
    tpu.vector_store %arg5[%swap3A_48], %swap3A_51 {strides = array<i32>} : memref<3360xi32, #tpu.memory_space<vmem>>, vector<16xi32>,
    %broadcast_in_dim3A_52 = arith.constant 0 : i32
    %broadcast_in_dim3A_53 = vector.broadcast %broadcast_in_dim3A_52 : i32 to vector<16xi32>
    %swap3A_54 = arith.constant 3248 : index
    %swap3A_55 = tpu.vector_load %arg5[%swap3A_54] {strides = array<i32>} : memref<3360xi32, #tpu.memory_space<vmem>>, vector<16xi32>,
    %swap3A_56 = vector.shape_cast %swap3A_55 : vector<16xi32> to vector<16xi32>
    %swap3A_57 = vector.shape_cast %broadcast_in_dim3A_53 : vector<16xi32> to vector<16xi32>
    tpu.vector_store %arg5[%swap3A_54], %swap3A_57 {strides = array<i32>} : memref<3360xi32, #tpu.memory_space<vmem>>, vector<16xi32>,
    %broadcast_in_dim3A_58 = arith.constant 0 : i32
    %broadcast_in_dim3A_59 = vector.broadcast %broadcast_in_dim3A_58 : i32 to vector<16xi32>
    %swap3A_60 = arith.constant 3264 : index
    %swap3A_61 = tpu.vector_load %arg5[%swap3A_60] {strides = array<i32>} : memref<3360xi32, #tpu.memory_space<vmem>>, vector<16xi32>,
    %swap3A_62 = vector.shape_cast %swap3A_61 : vector<16xi32> to vector<16xi32>
    %swap3A_63 = vector.shape_cast %broadcast_in_dim3A_59 : vector<16xi32> to vector<16xi32>
    tpu.vector_store %arg5[%swap3A_60], %swap3A_63 {strides = array<i32>} : memref<3360xi32, #tpu.memory_space<vmem>>, vector<16xi32>,
    %broadcast_in_dim3A_64 = arith.constant 0 : i32
    %broadcast_in_dim3A_65 = vector.broadcast %broadcast_in_dim3A_64 : i32 to vector<16xi32>
    %swap3A_66 = arith.constant 3280 : index
    %swap3A_67 = tpu.vector_load %arg5[%swap3A_66] {strides = array<i32>} : memref<3360xi32, #tpu.memory_space<vmem>>, vector<16xi32>,
    %swap3A_68 = vector.shape_cast %swap3A_67 : vector<16xi32> to vector<16xi32>
    %swap3A_69 = vector.shape_cast %broadcast_in_dim3A_65 : vector<16xi32> to vector<16xi32>
    tpu.vector_store %arg5[%swap3A_66], %swap3A_69 {strides = array<i32>} : memref<3360xi32, #tpu.memory_space<vmem>>, vector<16xi32>,
    %broadcast_in_dim3A_70 = arith.constant 0 : i32
    %broadcast_in_dim3A_71 = vector.broadcast %broadcast_in_dim3A_70 : i32 to vector<16xi32>
    %swap3A_72 = arith.constant 3296 : index
    %swap3A_73 = tpu.vector_load %arg5[%swap3A_72] {strides = array<i32>} : memref<3360xi32, #tpu.memory_space<vmem>>, vector<16xi32>,
    %swap3A_74 = vector.shape_cast %swap3A_73 : vector<16xi32> to vector<16xi32>
    %swap3A_75 = vector.shape_cast %broadcast_in_dim3A_71 : vector<16xi32> to vector<16xi32>
    tpu.vector_store %arg5[%swap3A_72], %swap3A_75 {strides = array<i32>} : memref<3360xi32, #tpu.memory_space<vmem>>, vector<16xi32>,
    %broadcast_in_dim3A_76 = arith.constant 0 : i32
    %broadcast_in_dim3A_77 = vector.broadcast %broadcast_in_dim3A_76 : i32 to vector<16xi32>
    %swap3A_78 = arith.constant 3312 : index
    %swap3A_79 = tpu.vector_load %arg5[%swap3A_78] {strides = array<i32>} : memref<3360xi32, #tpu.memory_space<vmem>>, vector<16xi32>,
    %swap3A_80 = vector.shape_cast %swap3A_79 : vector<16xi32> to vector<16xi32>
    %swap3A_81 = vector.shape_cast %broadcast_in_dim3A_77 : vector<16xi32> to vector<16xi32>
    tpu.vector_store %arg5[%swap3A_78], %swap3A_81 {strides = array<i32>} : memref<3360xi32, #tpu.memory_space<vmem>>, vector<16xi32>,
    %broadcast_in_dim3A_82 = arith.constant 0 : i32
    %broadcast_in_dim3A_83 = vector.broadcast %broadcast_in_dim3A_82 : i32 to vector<16xi32>
    %swap3A_84 = arith.constant 3328 : index
    %swap3A_85 = tpu.vector_load %arg5[%swap3A_84] {strides = array<i32>} : memref<3360xi32, #tpu.memory_space<vmem>>, vector<16xi32>,
    %swap3A_86 = vector.shape_cast %swap3A_85 : vector<16xi32> to vector<16xi32>
    %swap3A_87 = vector.shape_cast %broadcast_in_dim3A_83 : vector<16xi32> to vector<16xi32>
    tpu.vector_store %arg5[%swap3A_84], %swap3A_87 {strides = array<i32>} : memref<3360xi32, #tpu.memory_space<vmem>>, vector<16xi32>,
    %broadcast_in_dim3A_88 = arith.constant 0 : i32
    %broadcast_in_dim3A_89 = vector.broadcast %broadcast_in_dim3A_88 : i32 to vector<16xi32>
    %swap3A_90 = arith.constant 3344 : index
    %swap3A_91 = tpu.vector_load %arg5[%swap3A_90] {strides = array<i32>} : memref<3360xi32, #tpu.memory_space<vmem>>, vector<16xi32>,
    %swap3A_92 = vector.shape_cast %swap3A_91 : vector<16xi32> to vector<16xi32>
    %swap3A_93 = vector.shape_cast %broadcast_in_dim3A_89 : vector<16xi32> to vector<16xi32>
    tpu.vector_store %arg5[%swap3A_90], %swap3A_93 {strides = array<i32>} : memref<3360xi32, #tpu.memory_space<vmem>>, vector<16xi32>,
    "tpu.region"() ({
      %run_scoped3A = tpu.sem_alloc : memref<!tpu.dma_semaphore, #tpu.memory_space<semaphore_mem>>
      %dma_start3A_272 = arith.constant 0 : i32
      %dma_start3A_273 = tpu.memref_slice %arg5[%dma_start3A_272] : memref<3360xi32, #tpu.memory_space<vmem>> -> memref<3128xi32, #tpu.memory_space<vmem>>
      %dma_start3A_274 = tpu.memref_slice %arg2[%multiple_of3A] : memref<100000xi32, #tpu.memory_space<hbm>> -> memref<3128xi32, #tpu.memory_space<hbm>>
      %dma_start3A_275 = arith.constant 0 : i32
      %dma_start3A_276 = tpu.memref_slice %arg5[%dma_start3A_275] : memref<3360xi32, #tpu.memory_space<vmem>> -> memref<3128xi32, #tpu.memory_space<vmem>>
      %dma_start3A_277 = tpu.memref_slice %arg2[%multiple_of3A] : memref<100000xi32, #tpu.memory_space<hbm>> -> memref<3128xi32, #tpu.memory_space<hbm>>
      tpu.enqueue_dma source(%dma_start3A_277 : memref<3128xi32, #tpu.memory_space<hbm>>) target(%dma_start3A_276 : memref<3128xi32, #tpu.memory_space<vmem>>) target_semaphore(%run_scoped3A : memref<!tpu.dma_semaphore, #tpu.memory_space<semaphore_mem>>)
      %dma_wait3A_278 = arith.constant 0 : i32
      %dma_wait3A_279 = tpu.memref_slice %arg5[%dma_wait3A_278] : memref<3360xi32, #tpu.memory_space<vmem>> -> memref<3128xi32, #tpu.memory_space<vmem>>
      %dma_wait3A_280 = tpu.memref_slice %arg2[%multiple_of3A] : memref<100000xi32, #tpu.memory_space<hbm>> -> memref<3128xi32, #tpu.memory_space<hbm>>
      %dma_wait3A_281 = arith.constant 0 : i32
      %dma_wait3A_282 = tpu.memref_slice %arg5[%dma_wait3A_281] : memref<3360xi32, #tpu.memory_space<vmem>> -> memref<3128xi32, #tpu.memory_space<vmem>>
      %dma_wait3A_283 = tpu.memref_slice %arg2[%multiple_of3A] : memref<100000xi32, #tpu.memory_space<hbm>> -> memref<3128xi32, #tpu.memory_space<hbm>>
      tpu.wait_dma2 semaphore(%run_scoped3A : memref<!tpu.dma_semaphore, #tpu.memory_space<semaphore_mem>>) src(%dma_wait3A_283 : memref<3128xi32, #tpu.memory_space<hbm>>) dst(%dma_wait3A_282 : memref<3128xi32, #tpu.memory_space<vmem>>)
      tpu.yield
    }) : () -> ()
    %eq3A_94 = arith.constant 0 : i32
    %eq3A_95 = arith.cmpi eq, %arg1, %eq3A_94 : i32
    %convert_element_type3A_96 = arith.extui %eq3A_95 : i1 to i32
    %cond3A_97 = arith.constant 0 : i32
    %cond3A_98 = arith.cmpi ne, %convert_element_type3A_96, %cond3A_97 : i32
    scf.if %cond3A_98 {
      tpu.wait_dma2 semaphore(%arg16 : memref<!tpu.dma_semaphore, #tpu.memory_space<semaphore_mem>>) src(%arg3 : memref<89x128xf32, #tpu.memory_space<hbm>>) dst(%arg7 : memref<89x128xf32, #tpu.memory_space<vmem_shared>>)
    } else {
    }
    %barrier3A = arith.constant 0 : index
    tpu.barrier barrier_id(%barrier3A)
    %multiple_of3A_99 = arith.constant 0 : i32
    %multiple_of3A_100 = tpu.assume_multiple %multiple_of3A_99, 8 : i32
    %dma_start3A = arith.constant 0 : i32
    %dma_start3A_101 = arith.constant 0 : i32
    %dma_start3A_102 = arith.constant 0 : i32
    %dma_start3A_103 = tpu.memref_slice %arg6[%dma_start3A, %dma_start3A_101, %dma_start3A_102] : memref<4x120x128xf32, #tpu.memory_space<vmem>> -> memref<1x120x128xf32, #tpu.memory_space<vmem>>
    %dma_start3A_104 = tpu.memref_squeeze %dma_start3A_103 : memref<1x120x128xf32, #tpu.memory_space<vmem>> -> memref<120x128xf32, #tpu.memory_space<vmem>>
    %dma_start3A_105 = tpu.memref_slice %arg5[%multiple_of3A_100] : memref<3360xi32, #tpu.memory_space<vmem>> -> memref<120xi32, #tpu.memory_space<vmem>>
    %dma_start3A_106 = arith.constant 0 : i32
    %dma_start3A_107 = arith.constant 0 : i32
    %dma_start3A_108 = tpu.memref_slice %arg7[%dma_start3A_106, %dma_start3A_107] : memref<89x128xf32, #tpu.memory_space<vmem_shared>> -> memref<89x128xf32, #tpu.memory_space<vmem_shared>>
    tpu.enqueue_indirect_dma source(%dma_start3A_108 : memref<89x128xf32, #tpu.memory_space<vmem_shared>>) target(%dma_start3A_104 : memref<120x128xf32, #tpu.memory_space<vmem>>) offsets(%dma_start3A_105 : memref<120xi32, #tpu.memory_space<vmem>>) semaphore(%arg8 : memref<!tpu.dma_semaphore, #tpu.memory_space<semaphore_mem>>)
    %multiple_of3A_109 = arith.constant 120 : i32
    %multiple_of3A_110 = tpu.assume_multiple %multiple_of3A_109, 8 : i32
    %dma_start3A_111 = arith.constant 1 : i32
    %dma_start3A_112 = arith.constant 0 : i32
    %dma_start3A_113 = arith.constant 0 : i32
    %dma_start3A_114 = tpu.memref_slice %arg6[%dma_start3A_111, %dma_start3A_112, %dma_start3A_113] : memref<4x120x128xf32, #tpu.memory_space<vmem>> -> memref<1x120x128xf32, #tpu.memory_space<vmem>>
    %dma_start3A_115 = tpu.memref_squeeze %dma_start3A_114 : memref<1x120x128xf32, #tpu.memory_space<vmem>> -> memref<120x128xf32, #tpu.memory_space<vmem>>
    %dma_start3A_116 = tpu.memref_slice %arg5[%multiple_of3A_110] : memref<3360xi32, #tpu.memory_space<vmem>> -> memref<120xi32, #tpu.memory_space<vmem>>
    %dma_start3A_117 = arith.constant 0 : i32
    %dma_start3A_118 = arith.constant 0 : i32
    %dma_start3A_119 = tpu.memref_slice %arg7[%dma_start3A_117, %dma_start3A_118] : memref<89x128xf32, #tpu.memory_space<vmem_shared>> -> memref<89x128xf32, #tpu.memory_space<vmem_shared>>
    tpu.enqueue_indirect_dma source(%dma_start3A_119 : memref<89x128xf32, #tpu.memory_space<vmem_shared>>) target(%dma_start3A_115 : memref<120x128xf32, #tpu.memory_space<vmem>>) offsets(%dma_start3A_116 : memref<120xi32, #tpu.memory_space<vmem>>) semaphore(%arg9 : memref<!tpu.dma_semaphore, #tpu.memory_space<semaphore_mem>>)
    %multiple_of3A_120 = arith.constant 240 : i32
    %multiple_of3A_121 = tpu.assume_multiple %multiple_of3A_120, 8 : i32
    %dma_start3A_122 = arith.constant 2 : i32
    %dma_start3A_123 = arith.constant 0 : i32
    %dma_start3A_124 = arith.constant 0 : i32
    %dma_start3A_125 = tpu.memref_slice %arg6[%dma_start3A_122, %dma_start3A_123, %dma_start3A_124] : memref<4x120x128xf32, #tpu.memory_space<vmem>> -> memref<1x120x128xf32, #tpu.memory_space<vmem>>
    %dma_start3A_126 = tpu.memref_squeeze %dma_start3A_125 : memref<1x120x128xf32, #tpu.memory_space<vmem>> -> memref<120x128xf32, #tpu.memory_space<vmem>>
    %dma_start3A_127 = tpu.memref_slice %arg5[%multiple_of3A_121] : memref<3360xi32, #tpu.memory_space<vmem>> -> memref<120xi32, #tpu.memory_space<vmem>>
    %dma_start3A_128 = arith.constant 0 : i32
    %dma_start3A_129 = arith.constant 0 : i32
    %dma_start3A_130 = tpu.memref_slice %arg7[%dma_start3A_128, %dma_start3A_129] : memref<89x128xf32, #tpu.memory_space<vmem_shared>> -> memref<89x128xf32, #tpu.memory_space<vmem_shared>>
    tpu.enqueue_indirect_dma source(%dma_start3A_130 : memref<89x128xf32, #tpu.memory_space<vmem_shared>>) target(%dma_start3A_126 : memref<120x128xf32, #tpu.memory_space<vmem>>) offsets(%dma_start3A_127 : memref<120xi32, #tpu.memory_space<vmem>>) semaphore(%arg10 : memref<!tpu.dma_semaphore, #tpu.memory_space<semaphore_mem>>)
    %multiple_of3A_131 = arith.constant 360 : i32
    %multiple_of3A_132 = tpu.assume_multiple %multiple_of3A_131, 8 : i32
    %dma_start3A_133 = arith.constant 3 : i32
    %dma_start3A_134 = arith.constant 0 : i32
    %dma_start3A_135 = arith.constant 0 : i32
    %dma_start3A_136 = tpu.memref_slice %arg6[%dma_start3A_133, %dma_start3A_134, %dma_start3A_135] : memref<4x120x128xf32, #tpu.memory_space<vmem>> -> memref<1x120x128xf32, #tpu.memory_space<vmem>>
    %dma_start3A_137 = tpu.memref_squeeze %dma_start3A_136 : memref<1x120x128xf32, #tpu.memory_space<vmem>> -> memref<120x128xf32, #tpu.memory_space<vmem>>
    %dma_start3A_138 = tpu.memref_slice %arg5[%multiple_of3A_132] : memref<3360xi32, #tpu.memory_space<vmem>> -> memref<120xi32, #tpu.memory_space<vmem>>
    %dma_start3A_139 = arith.constant 0 : i32
    %dma_start3A_140 = arith.constant 0 : i32
    %dma_start3A_141 = tpu.memref_slice %arg7[%dma_start3A_139, %dma_start3A_140] : memref<89x128xf32, #tpu.memory_space<vmem_shared>> -> memref<89x128xf32, #tpu.memory_space<vmem_shared>>
    tpu.enqueue_indirect_dma source(%dma_start3A_141 : memref<89x128xf32, #tpu.memory_space<vmem_shared>>) target(%dma_start3A_137 : memref<120x128xf32, #tpu.memory_space<vmem>>) offsets(%dma_start3A_138 : memref<120xi32, #tpu.memory_space<vmem>>) semaphore(%arg11 : memref<!tpu.dma_semaphore, #tpu.memory_space<semaphore_mem>>)
    %scan3A = arith.constant 0 : i32
    %scan3A_142 = arith.constant 6 : i32
    %scan3A_143 = arith.addi %scan3A, %scan3A_142 : i32
    %scan3A_144 = arith.constant 1 : i32
    scf.for %scan3A_272 = %scan3A to %scan3A_143 step %scan3A_144  : i32 {
      %dma_wait3A_273 = arith.constant 0 : i32
      %dma_wait3A_274 = arith.constant 0 : i32
      %dma_wait3A_275 = arith.constant 0 : i32
      %dma_wait3A_276 = tpu.memref_slice %arg6[%dma_wait3A_273, %dma_wait3A_274, %dma_wait3A_275] : memref<4x120x128xf32, #tpu.memory_space<vmem>> -> memref<1x120x128xf32, #tpu.memory_space<vmem>>
      %dma_wait3A_277 = tpu.memref_squeeze %dma_wait3A_276 : memref<1x120x128xf32, #tpu.memory_space<vmem>> -> memref<120x128xf32, #tpu.memory_space<vmem>>
      %dma_wait3A_278 = arith.constant 0 : i32
      %dma_wait3A_279 = tpu.memref_slice %arg5[%dma_wait3A_278] : memref<3360xi32, #tpu.memory_space<vmem>> -> memref<120xi32, #tpu.memory_space<vmem>>
      %dma_wait3A_280 = arith.constant 0 : i32
      %dma_wait3A_281 = arith.constant 0 : i32
      %dma_wait3A_282 = tpu.memref_slice %arg7[%dma_wait3A_280, %dma_wait3A_281] : memref<89x128xf32, #tpu.memory_space<vmem_shared>> -> memref<89x128xf32, #tpu.memory_space<vmem_shared>>
      tpu.wait_indirect_dma semaphore(%arg8 : memref<!tpu.dma_semaphore, #tpu.memory_space<semaphore_mem>>) src(%dma_wait3A_282 : memref<89x128xf32, #tpu.memory_space<vmem_shared>>) dst(%dma_wait3A_277 : memref<120x128xf32, #tpu.memory_space<vmem>>)
      %mul3A_283 = arith.constant 4 : i32
      %mul3A_284 = arith.muli %scan3A_272, %mul3A_283 : i32
      %add3A_285 = arith.constant 0 : i32
      %add3A_286 = arith.addi %mul3A_284, %add3A_285 : i32
      %mul3A_287 = arith.constant 120 : i32
      %mul3A_288 = arith.muli %add3A_286, %mul3A_287 : i32
      %add3A_289 = arith.addi %multiple_of3A, %mul3A_288 : i32
      %multiple_of3A_290 = tpu.assume_multiple %add3A_289, 8 : i32
      %dma_start3A_291 = arith.constant 0 : i32
      %dma_start3A_292 = arith.constant 0 : i32
      %dma_start3A_293 = arith.constant 0 : i32
      %dma_start3A_294 = tpu.memref_slice %arg6[%dma_start3A_291, %dma_start3A_292, %dma_start3A_293] : memref<4x120x128xf32, #tpu.memory_space<vmem>> -> memref<1x120x128xf32, #tpu.memory_space<vmem>>
      %dma_start3A_295 = tpu.memref_squeeze %dma_start3A_294 : memref<1x120x128xf32, #tpu.memory_space<vmem>> -> memref<120x128xf32, #tpu.memory_space<vmem>>
      %dma_start3A_296 = arith.constant 0 : i32
      %dma_start3A_297 = tpu.memref_slice %arg4[%multiple_of3A_290, %dma_start3A_296] : memref<100000x128xf32, #tpu.memory_space<hbm>> -> memref<120x128xf32, #tpu.memory_space<hbm>>
      %dma_start3A_298 = arith.constant 0 : i32
      %dma_start3A_299 = tpu.memref_slice %arg4[%multiple_of3A_290, %dma_start3A_298] : memref<100000x128xf32, #tpu.memory_space<hbm>> -> memref<120x128xf32, #tpu.memory_space<hbm>>
      %dma_start3A_300 = arith.constant 0 : i32
      %dma_start3A_301 = arith.constant 0 : i32
      %dma_start3A_302 = tpu.memref_slice %arg6[%dma_start3A_291, %dma_start3A_300, %dma_start3A_301] : memref<4x120x128xf32, #tpu.memory_space<vmem>> -> memref<1x120x128xf32, #tpu.memory_space<vmem>>
      %dma_start3A_303 = tpu.memref_squeeze %dma_start3A_302 : memref<1x120x128xf32, #tpu.memory_space<vmem>> -> memref<120x128xf32, #tpu.memory_space<vmem>>
      tpu.enqueue_dma source(%dma_start3A_303 : memref<120x128xf32, #tpu.memory_space<vmem>>) target(%dma_start3A_299 : memref<120x128xf32, #tpu.memory_space<hbm>>) target_semaphore(%arg12 : memref<!tpu.dma_semaphore, #tpu.memory_space<semaphore_mem>>)
      %dma_wait3A_304 = arith.constant 1 : i32
      %dma_wait3A_305 = arith.constant 0 : i32
      %dma_wait3A_306 = arith.constant 0 : i32
      %dma_wait3A_307 = tpu.memref_slice %arg6[%dma_wait3A_304, %dma_wait3A_305, %dma_wait3A_306] : memref<4x120x128xf32, #tpu.memory_space<vmem>> -> memref<1x120x128xf32, #tpu.memory_space<vmem>>
      %dma_wait3A_308 = tpu.memref_squeeze %dma_wait3A_307 : memref<1x120x128xf32, #tpu.memory_space<vmem>> -> memref<120x128xf32, #tpu.memory_space<vmem>>
      %dma_wait3A_309 = arith.constant 0 : i32
      %dma_wait3A_310 = tpu.memref_slice %arg5[%dma_wait3A_309] : memref<3360xi32, #tpu.memory_space<vmem>> -> memref<120xi32, #tpu.memory_space<vmem>>
      %dma_wait3A_311 = arith.constant 0 : i32
      %dma_wait3A_312 = arith.constant 0 : i32
      %dma_wait3A_313 = tpu.memref_slice %arg7[%dma_wait3A_311, %dma_wait3A_312] : memref<89x128xf32, #tpu.memory_space<vmem_shared>> -> memref<89x128xf32, #tpu.memory_space<vmem_shared>>
      tpu.wait_indirect_dma semaphore(%arg9 : memref<!tpu.dma_semaphore, #tpu.memory_space<semaphore_mem>>) src(%dma_wait3A_313 : memref<89x128xf32, #tpu.memory_space<vmem_shared>>) dst(%dma_wait3A_308 : memref<120x128xf32, #tpu.memory_space<vmem>>)
      %mul3A_314 = arith.constant 4 : i32
      %mul3A_315 = arith.muli %scan3A_272, %mul3A_314 : i32
      %add3A_316 = arith.constant 1 : i32
      %add3A_317 = arith.addi %mul3A_315, %add3A_316 : i32
      %mul3A_318 = arith.constant 120 : i32
      %mul3A_319 = arith.muli %add3A_317, %mul3A_318 : i32
      %add3A_320 = arith.addi %multiple_of3A, %mul3A_319 : i32
      %multiple_of3A_321 = tpu.assume_multiple %add3A_320, 8 : i32
      %dma_start3A_322 = arith.constant 1 : i32
      %dma_start3A_323 = arith.constant 0 : i32
      %dma_start3A_324 = arith.constant 0 : i32
      %dma_start3A_325 = tpu.memref_slice %arg6[%dma_start3A_322, %dma_start3A_323, %dma_start3A_324] : memref<4x120x128xf32, #tpu.memory_space<vmem>> -> memref<1x120x128xf32, #tpu.memory_space<vmem>>
      %dma_start3A_326 = tpu.memref_squeeze %dma_start3A_325 : memref<1x120x128xf32, #tpu.memory_space<vmem>> -> memref<120x128xf32, #tpu.memory_space<vmem>>
      %dma_start3A_327 = arith.constant 0 : i32
      %dma_start3A_328 = tpu.memref_slice %arg4[%multiple_of3A_321, %dma_start3A_327] : memref<100000x128xf32, #tpu.memory_space<hbm>> -> memref<120x128xf32, #tpu.memory_space<hbm>>
      %dma_start3A_329 = arith.constant 0 : i32
      %dma_start3A_330 = tpu.memref_slice %arg4[%multiple_of3A_321, %dma_start3A_329] : memref<100000x128xf32, #tpu.memory_space<hbm>> -> memref<120x128xf32, #tpu.memory_space<hbm>>
      %dma_start3A_331 = arith.constant 0 : i32
      %dma_start3A_332 = arith.constant 0 : i32
      %dma_start3A_333 = tpu.memref_slice %arg6[%dma_start3A_322, %dma_start3A_331, %dma_start3A_332] : memref<4x120x128xf32, #tpu.memory_space<vmem>> -> memref<1x120x128xf32, #tpu.memory_space<vmem>>
      %dma_start3A_334 = tpu.memref_squeeze %dma_start3A_333 : memref<1x120x128xf32, #tpu.memory_space<vmem>> -> memref<120x128xf32, #tpu.memory_space<vmem>>
      tpu.enqueue_dma source(%dma_start3A_334 : memref<120x128xf32, #tpu.memory_space<vmem>>) target(%dma_start3A_330 : memref<120x128xf32, #tpu.memory_space<hbm>>) target_semaphore(%arg13 : memref<!tpu.dma_semaphore, #tpu.memory_space<semaphore_mem>>)
      %dma_wait3A_335 = arith.constant 2 : i32
      %dma_wait3A_336 = arith.constant 0 : i32
      %dma_wait3A_337 = arith.constant 0 : i32
      %dma_wait3A_338 = tpu.memref_slice %arg6[%dma_wait3A_335, %dma_wait3A_336, %dma_wait3A_337] : memref<4x120x128xf32, #tpu.memory_space<vmem>> -> memref<1x120x128xf32, #tpu.memory_space<vmem>>
      %dma_wait3A_339 = tpu.memref_squeeze %dma_wait3A_338 : memref<1x120x128xf32, #tpu.memory_space<vmem>> -> memref<120x128xf32, #tpu.memory_space<vmem>>
      %dma_wait3A_340 = arith.constant 0 : i32
      %dma_wait3A_341 = tpu.memref_slice %arg5[%dma_wait3A_340] : memref<3360xi32, #tpu.memory_space<vmem>> -> memref<120xi32, #tpu.memory_space<vmem>>
      %dma_wait3A_342 = arith.constant 0 : i32
      %dma_wait3A_343 = arith.constant 0 : i32
      %dma_wait3A_344 = tpu.memref_slice %arg7[%dma_wait3A_342, %dma_wait3A_343] : memref<89x128xf32, #tpu.memory_space<vmem_shared>> -> memref<89x128xf32, #tpu.memory_space<vmem_shared>>
      tpu.wait_indirect_dma semaphore(%arg10 : memref<!tpu.dma_semaphore, #tpu.memory_space<semaphore_mem>>) src(%dma_wait3A_344 : memref<89x128xf32, #tpu.memory_space<vmem_shared>>) dst(%dma_wait3A_339 : memref<120x128xf32, #tpu.memory_space<vmem>>)
      %mul3A_345 = arith.constant 4 : i32
      %mul3A_346 = arith.muli %scan3A_272, %mul3A_345 : i32
      %add3A_347 = arith.constant 2 : i32
      %add3A_348 = arith.addi %mul3A_346, %add3A_347 : i32
      %mul3A_349 = arith.constant 120 : i32
      %mul3A_350 = arith.muli %add3A_348, %mul3A_349 : i32
      %add3A_351 = arith.addi %multiple_of3A, %mul3A_350 : i32
      %multiple_of3A_352 = tpu.assume_multiple %add3A_351, 8 : i32
      %dma_start3A_353 = arith.constant 2 : i32
      %dma_start3A_354 = arith.constant 0 : i32
      %dma_start3A_355 = arith.constant 0 : i32
      %dma_start3A_356 = tpu.memref_slice %arg6[%dma_start3A_353, %dma_start3A_354, %dma_start3A_355] : memref<4x120x128xf32, #tpu.memory_space<vmem>> -> memref<1x120x128xf32, #tpu.memory_space<vmem>>
      %dma_start3A_357 = tpu.memref_squeeze %dma_start3A_356 : memref<1x120x128xf32, #tpu.memory_space<vmem>> -> memref<120x128xf32, #tpu.memory_space<vmem>>
      %dma_start3A_358 = arith.constant 0 : i32
      %dma_start3A_359 = tpu.memref_slice %arg4[%multiple_of3A_352, %dma_start3A_358] : memref<100000x128xf32, #tpu.memory_space<hbm>> -> memref<120x128xf32, #tpu.memory_space<hbm>>
      %dma_start3A_360 = arith.constant 0 : i32
      %dma_start3A_361 = tpu.memref_slice %arg4[%multiple_of3A_352, %dma_start3A_360] : memref<100000x128xf32, #tpu.memory_space<hbm>> -> memref<120x128xf32, #tpu.memory_space<hbm>>
      %dma_start3A_362 = arith.constant 0 : i32
      %dma_start3A_363 = arith.constant 0 : i32
      %dma_start3A_364 = tpu.memref_slice %arg6[%dma_start3A_353, %dma_start3A_362, %dma_start3A_363] : memref<4x120x128xf32, #tpu.memory_space<vmem>> -> memref<1x120x128xf32, #tpu.memory_space<vmem>>
      %dma_start3A_365 = tpu.memref_squeeze %dma_start3A_364 : memref<1x120x128xf32, #tpu.memory_space<vmem>> -> memref<120x128xf32, #tpu.memory_space<vmem>>
      tpu.enqueue_dma source(%dma_start3A_365 : memref<120x128xf32, #tpu.memory_space<vmem>>) target(%dma_start3A_361 : memref<120x128xf32, #tpu.memory_space<hbm>>) target_semaphore(%arg14 : memref<!tpu.dma_semaphore, #tpu.memory_space<semaphore_mem>>)
      %dma_wait3A_366 = arith.constant 3 : i32
      %dma_wait3A_367 = arith.constant 0 : i32
      %dma_wait3A_368 = arith.constant 0 : i32
      %dma_wait3A_369 = tpu.memref_slice %arg6[%dma_wait3A_366, %dma_wait3A_367, %dma_wait3A_368] : memref<4x120x128xf32, #tpu.memory_space<vmem>> -> memref<1x120x128xf32, #tpu.memory_space<vmem>>
      %dma_wait3A_370 = tpu.memref_squeeze %dma_wait3A_369 : memref<1x120x128xf32, #tpu.memory_space<vmem>> -> memref<120x128xf32, #tpu.memory_space<vmem>>
      %dma_wait3A_371 = arith.constant 0 : i32
      %dma_wait3A_372 = tpu.memref_slice %arg5[%dma_wait3A_371] : memref<3360xi32, #tpu.memory_space<vmem>> -> memref<120xi32, #tpu.memory_space<vmem>>
      %dma_wait3A_373 = arith.constant 0 : i32
      %dma_wait3A_374 = arith.constant 0 : i32
      %dma_wait3A_375 = tpu.memref_slice %arg7[%dma_wait3A_373, %dma_wait3A_374] : memref<89x128xf32, #tpu.memory_space<vmem_shared>> -> memref<89x128xf32, #tpu.memory_space<vmem_shared>>
      tpu.wait_indirect_dma semaphore(%arg11 : memref<!tpu.dma_semaphore, #tpu.memory_space<semaphore_mem>>) src(%dma_wait3A_375 : memref<89x128xf32, #tpu.memory_space<vmem_shared>>) dst(%dma_wait3A_370 : memref<120x128xf32, #tpu.memory_space<vmem>>)
      %mul3A_376 = arith.constant 4 : i32
      %mul3A_377 = arith.muli %scan3A_272, %mul3A_376 : i32
      %add3A_378 = arith.constant 3 : i32
      %add3A_379 = arith.addi %mul3A_377, %add3A_378 : i32
      %mul3A_380 = arith.constant 120 : i32
      %mul3A_381 = arith.muli %add3A_379, %mul3A_380 : i32
      %add3A_382 = arith.addi %multiple_of3A, %mul3A_381 : i32
      %multiple_of3A_383 = tpu.assume_multiple %add3A_382, 8 : i32
      %dma_start3A_384 = arith.constant 3 : i32
      %dma_start3A_385 = arith.constant 0 : i32
      %dma_start3A_386 = arith.constant 0 : i32
      %dma_start3A_387 = tpu.memref_slice %arg6[%dma_start3A_384, %dma_start3A_385, %dma_start3A_386] : memref<4x120x128xf32, #tpu.memory_space<vmem>> -> memref<1x120x128xf32, #tpu.memory_space<vmem>>
      %dma_start3A_388 = tpu.memref_squeeze %dma_start3A_387 : memref<1x120x128xf32, #tpu.memory_space<vmem>> -> memref<120x128xf32, #tpu.memory_space<vmem>>
      %dma_start3A_389 = arith.constant 0 : i32
      %dma_start3A_390 = tpu.memref_slice %arg4[%multiple_of3A_383, %dma_start3A_389] : memref<100000x128xf32, #tpu.memory_space<hbm>> -> memref<120x128xf32, #tpu.memory_space<hbm>>
      %dma_start3A_391 = arith.constant 0 : i32
      %dma_start3A_392 = tpu.memref_slice %arg4[%multiple_of3A_383, %dma_start3A_391] : memref<100000x128xf32, #tpu.memory_space<hbm>> -> memref<120x128xf32, #tpu.memory_space<hbm>>
      %dma_start3A_393 = arith.constant 0 : i32
      %dma_start3A_394 = arith.constant 0 : i32
      %dma_start3A_395 = tpu.memref_slice %arg6[%dma_start3A_384, %dma_start3A_393, %dma_start3A_394] : memref<4x120x128xf32, #tpu.memory_space<vmem>> -> memref<1x120x128xf32, #tpu.memory_space<vmem>>
      %dma_start3A_396 = tpu.memref_squeeze %dma_start3A_395 : memref<1x120x128xf32, #tpu.memory_space<vmem>> -> memref<120x128xf32, #tpu.memory_space<vmem>>
      tpu.enqueue_dma source(%dma_start3A_396 : memref<120x128xf32, #tpu.memory_space<vmem>>) target(%dma_start3A_392 : memref<120x128xf32, #tpu.memory_space<hbm>>) target_semaphore(%arg15 : memref<!tpu.dma_semaphore, #tpu.memory_space<semaphore_mem>>)
      %dma_wait3A_397 = arith.constant 0 : i32
      %dma_wait3A_398 = arith.constant 0 : i32
      %dma_wait3A_399 = arith.constant 0 : i32
      %dma_wait3A_400 = tpu.memref_slice %arg6[%dma_wait3A_397, %dma_wait3A_398, %dma_wait3A_399] : memref<4x120x128xf32, #tpu.memory_space<vmem>> -> memref<1x120x128xf32, #tpu.memory_space<vmem>>
      %dma_wait3A_401 = tpu.memref_squeeze %dma_wait3A_400 : memref<1x120x128xf32, #tpu.memory_space<vmem>> -> memref<120x128xf32, #tpu.memory_space<vmem>>
      %dma_wait3A_402 = arith.constant 0 : i32
      %dma_wait3A_403 = tpu.memref_slice %arg4[%multiple_of3A, %dma_wait3A_402] : memref<100000x128xf32, #tpu.memory_space<hbm>> -> memref<120x128xf32, #tpu.memory_space<hbm>>
      %dma_wait3A_404 = arith.constant 0 : i32
      %dma_wait3A_405 = tpu.memref_slice %arg4[%multiple_of3A, %dma_wait3A_404] : memref<100000x128xf32, #tpu.memory_space<hbm>> -> memref<120x128xf32, #tpu.memory_space<hbm>>
      %dma_wait3A_406 = arith.constant 0 : i32
      %dma_wait3A_407 = arith.constant 0 : i32
      %dma_wait3A_408 = tpu.memref_slice %arg6[%dma_wait3A_397, %dma_wait3A_406, %dma_wait3A_407] : memref<4x120x128xf32, #tpu.memory_space<vmem>> -> memref<1x120x128xf32, #tpu.memory_space<vmem>>
      %dma_wait3A_409 = tpu.memref_squeeze %dma_wait3A_408 : memref<1x120x128xf32, #tpu.memory_space<vmem>> -> memref<120x128xf32, #tpu.memory_space<vmem>>
      tpu.wait_dma2 semaphore(%arg12 : memref<!tpu.dma_semaphore, #tpu.memory_space<semaphore_mem>>) src(%dma_wait3A_409 : memref<120x128xf32, #tpu.memory_space<vmem>>) dst(%dma_wait3A_405 : memref<120x128xf32, #tpu.memory_space<hbm>>)
      %add3A_410 = arith.constant 1 : i32
      %add3A_411 = arith.addi %scan3A_272, %add3A_410 : i32
      %mul3A_412 = arith.constant 4 : i32
      %mul3A_413 = arith.muli %add3A_411, %mul3A_412 : i32
      %add3A_414 = arith.constant 0 : i32
      %add3A_415 = arith.addi %mul3A_413, %add3A_414 : i32
      %mul3A_416 = arith.constant 120 : i32
      %mul3A_417 = arith.muli %add3A_415, %mul3A_416 : i32
      %multiple_of3A_418 = tpu.assume_multiple %mul3A_417, 8 : i32
      %dma_start3A_419 = arith.constant 0 : i32
      %dma_start3A_420 = arith.constant 0 : i32
      %dma_start3A_421 = arith.constant 0 : i32
      %dma_start3A_422 = tpu.memref_slice %arg6[%dma_start3A_419, %dma_start3A_420, %dma_start3A_421] : memref<4x120x128xf32, #tpu.memory_space<vmem>> -> memref<1x120x128xf32, #tpu.memory_space<vmem>>
      %dma_start3A_423 = tpu.memref_squeeze %dma_start3A_422 : memref<1x120x128xf32, #tpu.memory_space<vmem>> -> memref<120x128xf32, #tpu.memory_space<vmem>>
      %dma_start3A_424 = tpu.memref_slice %arg5[%multiple_of3A_418] : memref<3360xi32, #tpu.memory_space<vmem>> -> memref<120xi32, #tpu.memory_space<vmem>>
      %dma_start3A_425 = arith.constant 0 : i32
      %dma_start3A_426 = arith.constant 0 : i32
      %dma_start3A_427 = tpu.memref_slice %arg7[%dma_start3A_425, %dma_start3A_426] : memref<89x128xf32, #tpu.memory_space<vmem_shared>> -> memref<89x128xf32, #tpu.memory_space<vmem_shared>>
      tpu.enqueue_indirect_dma source(%dma_start3A_427 : memref<89x128xf32, #tpu.memory_space<vmem_shared>>) target(%dma_start3A_423 : memref<120x128xf32, #tpu.memory_space<vmem>>) offsets(%dma_start3A_424 : memref<120xi32, #tpu.memory_space<vmem>>) semaphore(%arg8 : memref<!tpu.dma_semaphore, #tpu.memory_space<semaphore_mem>>)
      %dma_wait3A_428 = arith.constant 1 : i32
      %dma_wait3A_429 = arith.constant 0 : i32
      %dma_wait3A_430 = arith.constant 0 : i32
      %dma_wait3A_431 = tpu.memref_slice %arg6[%dma_wait3A_428, %dma_wait3A_429, %dma_wait3A_430] : memref<4x120x128xf32, #tpu.memory_space<vmem>> -> memref<1x120x128xf32, #tpu.memory_space<vmem>>
      %dma_wait3A_432 = tpu.memref_squeeze %dma_wait3A_431 : memref<1x120x128xf32, #tpu.memory_space<vmem>> -> memref<120x128xf32, #tpu.memory_space<vmem>>
      %dma_wait3A_433 = arith.constant 0 : i32
      %dma_wait3A_434 = tpu.memref_slice %arg4[%multiple_of3A, %dma_wait3A_433] : memref<100000x128xf32, #tpu.memory_space<hbm>> -> memref<120x128xf32, #tpu.memory_space<hbm>>
      %dma_wait3A_435 = arith.constant 0 : i32
      %dma_wait3A_436 = tpu.memref_slice %arg4[%multiple_of3A, %dma_wait3A_435] : memref<100000x128xf32, #tpu.memory_space<hbm>> -> memref<120x128xf32, #tpu.memory_space<hbm>>
      %dma_wait3A_437 = arith.constant 0 : i32
      %dma_wait3A_438 = arith.constant 0 : i32
      %dma_wait3A_439 = tpu.memref_slice %arg6[%dma_wait3A_428, %dma_wait3A_437, %dma_wait3A_438] : memref<4x120x128xf32, #tpu.memory_space<vmem>> -> memref<1x120x128xf32, #tpu.memory_space<vmem>>
      %dma_wait3A_440 = tpu.memref_squeeze %dma_wait3A_439 : memref<1x120x128xf32, #tpu.memory_space<vmem>> -> memref<120x128xf32, #tpu.memory_space<vmem>>
      tpu.wait_dma2 semaphore(%arg13 : memref<!tpu.dma_semaphore, #tpu.memory_space<semaphore_mem>>) src(%dma_wait3A_440 : memref<120x128xf32, #tpu.memory_space<vmem>>) dst(%dma_wait3A_436 : memref<120x128xf32, #tpu.memory_space<hbm>>)
      %add3A_441 = arith.constant 1 : i32
      %add3A_442 = arith.addi %scan3A_272, %add3A_441 : i32
      %mul3A_443 = arith.constant 4 : i32
      %mul3A_444 = arith.muli %add3A_442, %mul3A_443 : i32
      %add3A_445 = arith.constant 1 : i32
      %add3A_446 = arith.addi %mul3A_444, %add3A_445 : i32
      %mul3A_447 = arith.constant 120 : i32
      %mul3A_448 = arith.muli %add3A_446, %mul3A_447 : i32
      %multiple_of3A_449 = tpu.assume_multiple %mul3A_448, 8 : i32
      %dma_start3A_450 = arith.constant 1 : i32
      %dma_start3A_451 = arith.constant 0 : i32
      %dma_start3A_452 = arith.constant 0 : i32
      %dma_start3A_453 = tpu.memref_slice %arg6[%dma_start3A_450, %dma_start3A_451, %dma_start3A_452] : memref<4x120x128xf32, #tpu.memory_space<vmem>> -> memref<1x120x128xf32, #tpu.memory_space<vmem>>
      %dma_start3A_454 = tpu.memref_squeeze %dma_start3A_453 : memref<1x120x128xf32, #tpu.memory_space<vmem>> -> memref<120x128xf32, #tpu.memory_space<vmem>>
      %dma_start3A_455 = tpu.memref_slice %arg5[%multiple_of3A_449] : memref<3360xi32, #tpu.memory_space<vmem>> -> memref<120xi32, #tpu.memory_space<vmem>>
      %dma_start3A_456 = arith.constant 0 : i32
      %dma_start3A_457 = arith.constant 0 : i32
      %dma_start3A_458 = tpu.memref_slice %arg7[%dma_start3A_456, %dma_start3A_457] : memref<89x128xf32, #tpu.memory_space<vmem_shared>> -> memref<89x128xf32, #tpu.memory_space<vmem_shared>>
      tpu.enqueue_indirect_dma source(%dma_start3A_458 : memref<89x128xf32, #tpu.memory_space<vmem_shared>>) target(%dma_start3A_454 : memref<120x128xf32, #tpu.memory_space<vmem>>) offsets(%dma_start3A_455 : memref<120xi32, #tpu.memory_space<vmem>>) semaphore(%arg9 : memref<!tpu.dma_semaphore, #tpu.memory_space<semaphore_mem>>)
      %dma_wait3A_459 = arith.constant 2 : i32
      %dma_wait3A_460 = arith.constant 0 : i32
      %dma_wait3A_461 = arith.constant 0 : i32
      %dma_wait3A_462 = tpu.memref_slice %arg6[%dma_wait3A_459, %dma_wait3A_460, %dma_wait3A_461] : memref<4x120x128xf32, #tpu.memory_space<vmem>> -> memref<1x120x128xf32, #tpu.memory_space<vmem>>
      %dma_wait3A_463 = tpu.memref_squeeze %dma_wait3A_462 : memref<1x120x128xf32, #tpu.memory_space<vmem>> -> memref<120x128xf32, #tpu.memory_space<vmem>>
      %dma_wait3A_464 = arith.constant 0 : i32
      %dma_wait3A_465 = tpu.memref_slice %arg4[%multiple_of3A, %dma_wait3A_464] : memref<100000x128xf32, #tpu.memory_space<hbm>> -> memref<120x128xf32, #tpu.memory_space<hbm>>
      %dma_wait3A_466 = arith.constant 0 : i32
      %dma_wait3A_467 = tpu.memref_slice %arg4[%multiple_of3A, %dma_wait3A_466] : memref<100000x128xf32, #tpu.memory_space<hbm>> -> memref<120x128xf32, #tpu.memory_space<hbm>>
      %dma_wait3A_468 = arith.constant 0 : i32
      %dma_wait3A_469 = arith.constant 0 : i32
      %dma_wait3A_470 = tpu.memref_slice %arg6[%dma_wait3A_459, %dma_wait3A_468, %dma_wait3A_469] : memref<4x120x128xf32, #tpu.memory_space<vmem>> -> memref<1x120x128xf32, #tpu.memory_space<vmem>>
      %dma_wait3A_471 = tpu.memref_squeeze %dma_wait3A_470 : memref<1x120x128xf32, #tpu.memory_space<vmem>> -> memref<120x128xf32, #tpu.memory_space<vmem>>
      tpu.wait_dma2 semaphore(%arg14 : memref<!tpu.dma_semaphore, #tpu.memory_space<semaphore_mem>>) src(%dma_wait3A_471 : memref<120x128xf32, #tpu.memory_space<vmem>>) dst(%dma_wait3A_467 : memref<120x128xf32, #tpu.memory_space<hbm>>)
      %add3A_472 = arith.constant 1 : i32
      %add3A_473 = arith.addi %scan3A_272, %add3A_472 : i32
      %mul3A_474 = arith.constant 4 : i32
      %mul3A_475 = arith.muli %add3A_473, %mul3A_474 : i32
      %add3A_476 = arith.constant 2 : i32
      %add3A_477 = arith.addi %mul3A_475, %add3A_476 : i32
      %mul3A_478 = arith.constant 120 : i32
      %mul3A_479 = arith.muli %add3A_477, %mul3A_478 : i32
      %multiple_of3A_480 = tpu.assume_multiple %mul3A_479, 8 : i32
      %dma_start3A_481 = arith.constant 2 : i32
      %dma_start3A_482 = arith.constant 0 : i32
      %dma_start3A_483 = arith.constant 0 : i32
      %dma_start3A_484 = tpu.memref_slice %arg6[%dma_start3A_481, %dma_start3A_482, %dma_start3A_483] : memref<4x120x128xf32, #tpu.memory_space<vmem>> -> memref<1x120x128xf32, #tpu.memory_space<vmem>>
      %dma_start3A_485 = tpu.memref_squeeze %dma_start3A_484 : memref<1x120x128xf32, #tpu.memory_space<vmem>> -> memref<120x128xf32, #tpu.memory_space<vmem>>
      %dma_start3A_486 = tpu.memref_slice %arg5[%multiple_of3A_480] : memref<3360xi32, #tpu.memory_space<vmem>> -> memref<120xi32, #tpu.memory_space<vmem>>
      %dma_start3A_487 = arith.constant 0 : i32
      %dma_start3A_488 = arith.constant 0 : i32
      %dma_start3A_489 = tpu.memref_slice %arg7[%dma_start3A_487, %dma_start3A_488] : memref<89x128xf32, #tpu.memory_space<vmem_shared>> -> memref<89x128xf32, #tpu.memory_space<vmem_shared>>
      tpu.enqueue_indirect_dma source(%dma_start3A_489 : memref<89x128xf32, #tpu.memory_space<vmem_shared>>) target(%dma_start3A_485 : memref<120x128xf32, #tpu.memory_space<vmem>>) offsets(%dma_start3A_486 : memref<120xi32, #tpu.memory_space<vmem>>) semaphore(%arg10 : memref<!tpu.dma_semaphore, #tpu.memory_space<semaphore_mem>>)
      %dma_wait3A_490 = arith.constant 3 : i32
      %dma_wait3A_491 = arith.constant 0 : i32
      %dma_wait3A_492 = arith.constant 0 : i32
      %dma_wait3A_493 = tpu.memref_slice %arg6[%dma_wait3A_490, %dma_wait3A_491, %dma_wait3A_492] : memref<4x120x128xf32, #tpu.memory_space<vmem>> -> memref<1x120x128xf32, #tpu.memory_space<vmem>>
      %dma_wait3A_494 = tpu.memref_squeeze %dma_wait3A_493 : memref<1x120x128xf32, #tpu.memory_space<vmem>> -> memref<120x128xf32, #tpu.memory_space<vmem>>
      %dma_wait3A_495 = arith.constant 0 : i32
      %dma_wait3A_496 = tpu.memref_slice %arg4[%multiple_of3A, %dma_wait3A_495] : memref<100000x128xf32, #tpu.memory_space<hbm>> -> memref<120x128xf32, #tpu.memory_space<hbm>>
      %dma_wait3A_497 = arith.constant 0 : i32
      %dma_wait3A_498 = tpu.memref_slice %arg4[%multiple_of3A, %dma_wait3A_497] : memref<100000x128xf32, #tpu.memory_space<hbm>> -> memref<120x128xf32, #tpu.memory_space<hbm>>
      %dma_wait3A_499 = arith.constant 0 : i32
      %dma_wait3A_500 = arith.constant 0 : i32
      %dma_wait3A_501 = tpu.memref_slice %arg6[%dma_wait3A_490, %dma_wait3A_499, %dma_wait3A_500] : memref<4x120x128xf32, #tpu.memory_space<vmem>> -> memref<1x120x128xf32, #tpu.memory_space<vmem>>
      %dma_wait3A_502 = tpu.memref_squeeze %dma_wait3A_501 : memref<1x120x128xf32, #tpu.memory_space<vmem>> -> memref<120x128xf32, #tpu.memory_space<vmem>>
      tpu.wait_dma2 semaphore(%arg15 : memref<!tpu.dma_semaphore, #tpu.memory_space<semaphore_mem>>) src(%dma_wait3A_502 : memref<120x128xf32, #tpu.memory_space<vmem>>) dst(%dma_wait3A_498 : memref<120x128xf32, #tpu.memory_space<hbm>>)
      %add3A_503 = arith.constant 1 : i32
      %add3A_504 = arith.addi %scan3A_272, %add3A_503 : i32
      %mul3A_505 = arith.constant 4 : i32
      %mul3A_506 = arith.muli %add3A_504, %mul3A_505 : i32
      %add3A_507 = arith.constant 3 : i32
      %add3A_508 = arith.addi %mul3A_506, %add3A_507 : i32
      %mul3A_509 = arith.constant 120 : i32
      %mul3A_510 = arith.muli %add3A_508, %mul3A_509 : i32
      %multiple_of3A_511 = tpu.assume_multiple %mul3A_510, 8 : i32
      %dma_start3A_512 = arith.constant 3 : i32
      %dma_start3A_513 = arith.constant 0 : i32
      %dma_start3A_514 = arith.constant 0 : i32
      %dma_start3A_515 = tpu.memref_slice %arg6[%dma_start3A_512, %dma_start3A_513, %dma_start3A_514] : memref<4x120x128xf32, #tpu.memory_space<vmem>> -> memref<1x120x128xf32, #tpu.memory_space<vmem>>
      %dma_start3A_516 = tpu.memref_squeeze %dma_start3A_515 : memref<1x120x128xf32, #tpu.memory_space<vmem>> -> memref<120x128xf32, #tpu.memory_space<vmem>>
      %dma_start3A_517 = tpu.memref_slice %arg5[%multiple_of3A_511] : memref<3360xi32, #tpu.memory_space<vmem>> -> memref<120xi32, #tpu.memory_space<vmem>>
      %dma_start3A_518 = arith.constant 0 : i32
      %dma_start3A_519 = arith.constant 0 : i32
      %dma_start3A_520 = tpu.memref_slice %arg7[%dma_start3A_518, %dma_start3A_519] : memref<89x128xf32, #tpu.memory_space<vmem_shared>> -> memref<89x128xf32, #tpu.memory_space<vmem_shared>>
      tpu.enqueue_indirect_dma source(%dma_start3A_520 : memref<89x128xf32, #tpu.memory_space<vmem_shared>>) target(%dma_start3A_516 : memref<120x128xf32, #tpu.memory_space<vmem>>) offsets(%dma_start3A_517 : memref<120xi32, #tpu.memory_space<vmem>>) semaphore(%arg11 : memref<!tpu.dma_semaphore, #tpu.memory_space<semaphore_mem>>)
    }
    %scan3A_145 = arith.constant 6 : i32
    %dma_wait3A = arith.constant 0 : i32
    %dma_wait3A_146 = arith.constant 0 : i32
    %dma_wait3A_147 = arith.constant 0 : i32
    %dma_wait3A_148 = tpu.memref_slice %arg6[%dma_wait3A, %dma_wait3A_146, %dma_wait3A_147] : memref<4x120x128xf32, #tpu.memory_space<vmem>> -> memref<1x120x128xf32, #tpu.memory_space<vmem>>
    %dma_wait3A_149 = tpu.memref_squeeze %dma_wait3A_148 : memref<1x120x128xf32, #tpu.memory_space<vmem>> -> memref<120x128xf32, #tpu.memory_space<vmem>>
    %dma_wait3A_150 = arith.constant 0 : i32
    %dma_wait3A_151 = tpu.memref_slice %arg5[%dma_wait3A_150] : memref<3360xi32, #tpu.memory_space<vmem>> -> memref<120xi32, #tpu.memory_space<vmem>>
    %dma_wait3A_152 = arith.constant 0 : i32
    %dma_wait3A_153 = arith.constant 0 : i32
    %dma_wait3A_154 = tpu.memref_slice %arg7[%dma_wait3A_152, %dma_wait3A_153] : memref<89x128xf32, #tpu.memory_space<vmem_shared>> -> memref<89x128xf32, #tpu.memory_space<vmem_shared>>
    tpu.wait_indirect_dma semaphore(%arg8 : memref<!tpu.dma_semaphore, #tpu.memory_space<semaphore_mem>>) src(%dma_wait3A_154 : memref<89x128xf32, #tpu.memory_space<vmem_shared>>) dst(%dma_wait3A_149 : memref<120x128xf32, #tpu.memory_space<vmem>>)
    %add3A_155 = arith.constant 2880 : i32
    %add3A_156 = arith.addi %multiple_of3A, %add3A_155 : i32
    %multiple_of3A_157 = tpu.assume_multiple %add3A_156, 8 : i32
    %dma_start3A_158 = arith.constant 0 : i32
    %dma_start3A_159 = arith.constant 0 : i32
    %dma_start3A_160 = arith.constant 0 : i32
    %dma_start3A_161 = tpu.memref_slice %arg6[%dma_start3A_158, %dma_start3A_159, %dma_start3A_160] : memref<4x120x128xf32, #tpu.memory_space<vmem>> -> memref<1x120x128xf32, #tpu.memory_space<vmem>>
    %dma_start3A_162 = tpu.memref_squeeze %dma_start3A_161 : memref<1x120x128xf32, #tpu.memory_space<vmem>> -> memref<120x128xf32, #tpu.memory_space<vmem>>
    %dma_start3A_163 = arith.constant 0 : i32
    %dma_start3A_164 = tpu.memref_slice %arg4[%multiple_of3A_157, %dma_start3A_163] : memref<100000x128xf32, #tpu.memory_space<hbm>> -> memref<120x128xf32, #tpu.memory_space<hbm>>
    %dma_start3A_165 = arith.constant 0 : i32
    %dma_start3A_166 = tpu.memref_slice %arg4[%multiple_of3A_157, %dma_start3A_165] : memref<100000x128xf32, #tpu.memory_space<hbm>> -> memref<120x128xf32, #tpu.memory_space<hbm>>
    %dma_start3A_167 = arith.constant 0 : i32
    %dma_start3A_168 = arith.constant 0 : i32
    %dma_start3A_169 = tpu.memref_slice %arg6[%dma_start3A_158, %dma_start3A_167, %dma_start3A_168] : memref<4x120x128xf32, #tpu.memory_space<vmem>> -> memref<1x120x128xf32, #tpu.memory_space<vmem>>
    %dma_start3A_170 = tpu.memref_squeeze %dma_start3A_169 : memref<1x120x128xf32, #tpu.memory_space<vmem>> -> memref<120x128xf32, #tpu.memory_space<vmem>>
    tpu.enqueue_dma source(%dma_start3A_170 : memref<120x128xf32, #tpu.memory_space<vmem>>) target(%dma_start3A_166 : memref<120x128xf32, #tpu.memory_space<hbm>>) target_semaphore(%arg12 : memref<!tpu.dma_semaphore, #tpu.memory_space<semaphore_mem>>)
    %dma_wait3A_171 = arith.constant 1 : i32
    %dma_wait3A_172 = arith.constant 0 : i32
    %dma_wait3A_173 = arith.constant 0 : i32
    %dma_wait3A_174 = tpu.memref_slice %arg6[%dma_wait3A_171, %dma_wait3A_172, %dma_wait3A_173] : memref<4x120x128xf32, #tpu.memory_space<vmem>> -> memref<1x120x128xf32, #tpu.memory_space<vmem>>
    %dma_wait3A_175 = tpu.memref_squeeze %dma_wait3A_174 : memref<1x120x128xf32, #tpu.memory_space<vmem>> -> memref<120x128xf32, #tpu.memory_space<vmem>>
    %dma_wait3A_176 = arith.constant 0 : i32
    %dma_wait3A_177 = tpu.memref_slice %arg5[%dma_wait3A_176] : memref<3360xi32, #tpu.memory_space<vmem>> -> memref<120xi32, #tpu.memory_space<vmem>>
    %dma_wait3A_178 = arith.constant 0 : i32
    %dma_wait3A_179 = arith.constant 0 : i32
    %dma_wait3A_180 = tpu.memref_slice %arg7[%dma_wait3A_178, %dma_wait3A_179] : memref<89x128xf32, #tpu.memory_space<vmem_shared>> -> memref<89x128xf32, #tpu.memory_space<vmem_shared>>
    tpu.wait_indirect_dma semaphore(%arg9 : memref<!tpu.dma_semaphore, #tpu.memory_space<semaphore_mem>>) src(%dma_wait3A_180 : memref<89x128xf32, #tpu.memory_space<vmem_shared>>) dst(%dma_wait3A_175 : memref<120x128xf32, #tpu.memory_space<vmem>>)
    %add3A_181 = arith.constant 3000 : i32
    %add3A_182 = arith.addi %multiple_of3A, %add3A_181 : i32
    %multiple_of3A_183 = tpu.assume_multiple %add3A_182, 8 : i32
    %dma_start3A_184 = arith.constant 1 : i32
    %dma_start3A_185 = arith.constant 0 : i32
    %dma_start3A_186 = arith.constant 0 : i32
    %dma_start3A_187 = tpu.memref_slice %arg6[%dma_start3A_184, %dma_start3A_185, %dma_start3A_186] : memref<4x120x128xf32, #tpu.memory_space<vmem>> -> memref<1x120x128xf32, #tpu.memory_space<vmem>>
    %dma_start3A_188 = tpu.memref_squeeze %dma_start3A_187 : memref<1x120x128xf32, #tpu.memory_space<vmem>> -> memref<120x128xf32, #tpu.memory_space<vmem>>
    %dma_start3A_189 = arith.constant 0 : i32
    %dma_start3A_190 = tpu.memref_slice %arg4[%multiple_of3A_183, %dma_start3A_189] : memref<100000x128xf32, #tpu.memory_space<hbm>> -> memref<120x128xf32, #tpu.memory_space<hbm>>
    %dma_start3A_191 = arith.constant 0 : i32
    %dma_start3A_192 = tpu.memref_slice %arg4[%multiple_of3A_183, %dma_start3A_191] : memref<100000x128xf32, #tpu.memory_space<hbm>> -> memref<120x128xf32, #tpu.memory_space<hbm>>
    %dma_start3A_193 = arith.constant 0 : i32
    %dma_start3A_194 = arith.constant 0 : i32
    %dma_start3A_195 = tpu.memref_slice %arg6[%dma_start3A_184, %dma_start3A_193, %dma_start3A_194] : memref<4x120x128xf32, #tpu.memory_space<vmem>> -> memref<1x120x128xf32, #tpu.memory_space<vmem>>
    %dma_start3A_196 = tpu.memref_squeeze %dma_start3A_195 : memref<1x120x128xf32, #tpu.memory_space<vmem>> -> memref<120x128xf32, #tpu.memory_space<vmem>>
    tpu.enqueue_dma source(%dma_start3A_196 : memref<120x128xf32, #tpu.memory_space<vmem>>) target(%dma_start3A_192 : memref<120x128xf32, #tpu.memory_space<hbm>>) target_semaphore(%arg13 : memref<!tpu.dma_semaphore, #tpu.memory_space<semaphore_mem>>)
    %dma_wait3A_197 = arith.constant 2 : i32
    %dma_wait3A_198 = arith.constant 0 : i32
    %dma_wait3A_199 = arith.constant 0 : i32
    %dma_wait3A_200 = tpu.memref_slice %arg6[%dma_wait3A_197, %dma_wait3A_198, %dma_wait3A_199] : memref<4x120x128xf32, #tpu.memory_space<vmem>> -> memref<1x120x128xf32, #tpu.memory_space<vmem>>
    %dma_wait3A_201 = tpu.memref_squeeze %dma_wait3A_200 : memref<1x120x128xf32, #tpu.memory_space<vmem>> -> memref<120x128xf32, #tpu.memory_space<vmem>>
    %dma_wait3A_202 = arith.constant 0 : i32
    %dma_wait3A_203 = tpu.memref_slice %arg5[%dma_wait3A_202] : memref<3360xi32, #tpu.memory_space<vmem>> -> memref<120xi32, #tpu.memory_space<vmem>>
    %dma_wait3A_204 = arith.constant 0 : i32
    %dma_wait3A_205 = arith.constant 0 : i32
    %dma_wait3A_206 = tpu.memref_slice %arg7[%dma_wait3A_204, %dma_wait3A_205] : memref<89x128xf32, #tpu.memory_space<vmem_shared>> -> memref<89x128xf32, #tpu.memory_space<vmem_shared>>
    tpu.wait_indirect_dma semaphore(%arg10 : memref<!tpu.dma_semaphore, #tpu.memory_space<semaphore_mem>>) src(%dma_wait3A_206 : memref<89x128xf32, #tpu.memory_space<vmem_shared>>) dst(%dma_wait3A_201 : memref<120x128xf32, #tpu.memory_space<vmem>>)
    %add3A_207 = arith.constant 3120 : i32
    %add3A_208 = arith.addi %multiple_of3A, %add3A_207 : i32
    %multiple_of3A_209 = tpu.assume_multiple %add3A_208, 8 : i32
    %dma_start3A_210 = arith.constant 2 : i32
    %dma_start3A_211 = arith.constant 0 : i32
    %dma_start3A_212 = arith.constant 0 : i32
    %dma_start3A_213 = tpu.memref_slice %arg6[%dma_start3A_210, %dma_start3A_211, %dma_start3A_212] : memref<4x120x128xf32, #tpu.memory_space<vmem>> -> memref<1x8x128xf32, #tpu.memory_space<vmem>>
    %dma_start3A_214 = tpu.memref_squeeze %dma_start3A_213 : memref<1x8x128xf32, #tpu.memory_space<vmem>> -> memref<8x128xf32, #tpu.memory_space<vmem>>
    %dma_start3A_215 = arith.constant 0 : i32
    %dma_start3A_216 = tpu.memref_slice %arg4[%multiple_of3A_209, %dma_start3A_215] : memref<100000x128xf32, #tpu.memory_space<hbm>> -> memref<8x128xf32, #tpu.memory_space<hbm>>
    %dma_start3A_217 = arith.constant 0 : i32
    %dma_start3A_218 = tpu.memref_slice %arg4[%multiple_of3A_209, %dma_start3A_217] : memref<100000x128xf32, #tpu.memory_space<hbm>> -> memref<8x128xf32, #tpu.memory_space<hbm>>
    %dma_start3A_219 = arith.constant 0 : i32
    %dma_start3A_220 = arith.constant 0 : i32
    %dma_start3A_221 = tpu.memref_slice %arg6[%dma_start3A_210, %dma_start3A_219, %dma_start3A_220] : memref<4x120x128xf32, #tpu.memory_space<vmem>> -> memref<1x8x128xf32, #tpu.memory_space<vmem>>
    %dma_start3A_222 = tpu.memref_squeeze %dma_start3A_221 : memref<1x8x128xf32, #tpu.memory_space<vmem>> -> memref<8x128xf32, #tpu.memory_space<vmem>>
    tpu.enqueue_dma source(%dma_start3A_222 : memref<8x128xf32, #tpu.memory_space<vmem>>) target(%dma_start3A_218 : memref<8x128xf32, #tpu.memory_space<hbm>>) target_semaphore(%arg14 : memref<!tpu.dma_semaphore, #tpu.memory_space<semaphore_mem>>)
    %dma_wait3A_223 = arith.constant 3 : i32
    %dma_wait3A_224 = arith.constant 0 : i32
    %dma_wait3A_225 = arith.constant 0 : i32
    %dma_wait3A_226 = tpu.memref_slice %arg6[%dma_wait3A_223, %dma_wait3A_224, %dma_wait3A_225] : memref<4x120x128xf32, #tpu.memory_space<vmem>> -> memref<1x120x128xf32, #tpu.memory_space<vmem>>
    %dma_wait3A_227 = tpu.memref_squeeze %dma_wait3A_226 : memref<1x120x128xf32, #tpu.memory_space<vmem>> -> memref<120x128xf32, #tpu.memory_space<vmem>>
    %dma_wait3A_228 = arith.constant 0 : i32
    %dma_wait3A_229 = tpu.memref_slice %arg5[%dma_wait3A_228] : memref<3360xi32, #tpu.memory_space<vmem>> -> memref<120xi32, #tpu.memory_space<vmem>>
    %dma_wait3A_230 = arith.constant 0 : i32
    %dma_wait3A_231 = arith.constant 0 : i32
    %dma_wait3A_232 = tpu.memref_slice %arg7[%dma_wait3A_230, %dma_wait3A_231] : memref<89x128xf32, #tpu.memory_space<vmem_shared>> -> memref<89x128xf32, #tpu.memory_space<vmem_shared>>
    tpu.wait_indirect_dma semaphore(%arg11 : memref<!tpu.dma_semaphore, #tpu.memory_space<semaphore_mem>>) src(%dma_wait3A_232 : memref<89x128xf32, #tpu.memory_space<vmem_shared>>) dst(%dma_wait3A_227 : memref<120x128xf32, #tpu.memory_space<vmem>>)
    %dma_wait3A_233 = arith.constant 0 : i32
    %dma_wait3A_234 = arith.constant 0 : i32
    %dma_wait3A_235 = arith.constant 0 : i32
    %dma_wait3A_236 = tpu.memref_slice %arg6[%dma_wait3A_233, %dma_wait3A_234, %dma_wait3A_235] : memref<4x120x128xf32, #tpu.memory_space<vmem>> -> memref<1x120x128xf32, #tpu.memory_space<vmem>>
    %dma_wait3A_237 = tpu.memref_squeeze %dma_wait3A_236 : memref<1x120x128xf32, #tpu.memory_space<vmem>> -> memref<120x128xf32, #tpu.memory_space<vmem>>
    %dma_wait3A_238 = arith.constant 0 : i32
    %dma_wait3A_239 = tpu.memref_slice %arg4[%multiple_of3A, %dma_wait3A_238] : memref<100000x128xf32, #tpu.memory_space<hbm>> -> memref<120x128xf32, #tpu.memory_space<hbm>>
    %dma_wait3A_240 = arith.constant 0 : i32
    %dma_wait3A_241 = tpu.memref_slice %arg4[%multiple_of3A, %dma_wait3A_240] : memref<100000x128xf32, #tpu.memory_space<hbm>> -> memref<120x128xf32, #tpu.memory_space<hbm>>
    %dma_wait3A_242 = arith.constant 0 : i32
    %dma_wait3A_243 = arith.constant 0 : i32
    %dma_wait3A_244 = tpu.memref_slice %arg6[%dma_wait3A_233, %dma_wait3A_242, %dma_wait3A_243] : memref<4x120x128xf32, #tpu.memory_space<vmem>> -> memref<1x120x128xf32, #tpu.memory_space<vmem>>
    %dma_wait3A_245 = tpu.memref_squeeze %dma_wait3A_244 : memref<1x120x128xf32, #tpu.memory_space<vmem>> -> memref<120x128xf32, #tpu.memory_space<vmem>>
    tpu.wait_dma2 semaphore(%arg12 : memref<!tpu.dma_semaphore, #tpu.memory_space<semaphore_mem>>) src(%dma_wait3A_245 : memref<120x128xf32, #tpu.memory_space<vmem>>) dst(%dma_wait3A_241 : memref<120x128xf32, #tpu.memory_space<hbm>>)
    %dma_wait3A_246 = arith.constant 1 : i32
    %dma_wait3A_247 = arith.constant 0 : i32
    %dma_wait3A_248 = arith.constant 0 : i32
    %dma_wait3A_249 = tpu.memref_slice %arg6[%dma_wait3A_246, %dma_wait3A_247, %dma_wait3A_248] : memref<4x120x128xf32, #tpu.memory_space<vmem>> -> memref<1x120x128xf32, #tpu.memory_space<vmem>>
    %dma_wait3A_250 = tpu.memref_squeeze %dma_wait3A_249 : memref<1x120x128xf32, #tpu.memory_space<vmem>> -> memref<120x128xf32, #tpu.memory_space<vmem>>
    %dma_wait3A_251 = arith.constant 0 : i32
    %dma_wait3A_252 = tpu.memref_slice %arg4[%multiple_of3A, %dma_wait3A_251] : memref<100000x128xf32, #tpu.memory_space<hbm>> -> memref<120x128xf32, #tpu.memory_space<hbm>>
    %dma_wait3A_253 = arith.constant 0 : i32
    %dma_wait3A_254 = tpu.memref_slice %arg4[%multiple_of3A, %dma_wait3A_253] : memref<100000x128xf32, #tpu.memory_space<hbm>> -> memref<120x128xf32, #tpu.memory_space<hbm>>
    %dma_wait3A_255 = arith.constant 0 : i32
    %dma_wait3A_256 = arith.constant 0 : i32
    %dma_wait3A_257 = tpu.memref_slice %arg6[%dma_wait3A_246, %dma_wait3A_255, %dma_wait3A_256] : memref<4x120x128xf32, #tpu.memory_space<vmem>> -> memref<1x120x128xf32, #tpu.memory_space<vmem>>
    %dma_wait3A_258 = tpu.memref_squeeze %dma_wait3A_257 : memref<1x120x128xf32, #tpu.memory_space<vmem>> -> memref<120x128xf32, #tpu.memory_space<vmem>>
    tpu.wait_dma2 semaphore(%arg13 : memref<!tpu.dma_semaphore, #tpu.memory_space<semaphore_mem>>) src(%dma_wait3A_258 : memref<120x128xf32, #tpu.memory_space<vmem>>) dst(%dma_wait3A_254 : memref<120x128xf32, #tpu.memory_space<hbm>>)
    %dma_wait3A_259 = arith.constant 2 : i32
    %dma_wait3A_260 = arith.constant 0 : i32
    %dma_wait3A_261 = arith.constant 0 : i32
    %dma_wait3A_262 = tpu.memref_slice %arg6[%dma_wait3A_259, %dma_wait3A_260, %dma_wait3A_261] : memref<4x120x128xf32, #tpu.memory_space<vmem>> -> memref<1x8x128xf32, #tpu.memory_space<vmem>>
    %dma_wait3A_263 = tpu.memref_squeeze %dma_wait3A_262 : memref<1x8x128xf32, #tpu.memory_space<vmem>> -> memref<8x128xf32, #tpu.memory_space<vmem>>
    %dma_wait3A_264 = arith.constant 0 : i32
    %dma_wait3A_265 = tpu.memref_slice %arg4[%multiple_of3A, %dma_wait3A_264] : memref<100000x128xf32, #tpu.memory_space<hbm>> -> memref<8x128xf32, #tpu.memory_space<hbm>>
    %dma_wait3A_266 = arith.constant 0 : i32
    %dma_wait3A_267 = tpu.memref_slice %arg4[%multiple_of3A, %dma_wait3A_266] : memref<100000x128xf32, #tpu.memory_space<hbm>> -> memref<8x128xf32, #tpu.memory_space<hbm>>
    %dma_wait3A_268 = arith.constant 0 : i32
    %dma_wait3A_269 = arith.constant 0 : i32
    %dma_wait3A_270 = tpu.memref_slice %arg6[%dma_wait3A_259, %dma_wait3A_268, %dma_wait3A_269] : memref<4x120x128xf32, #tpu.memory_space<vmem>> -> memref<1x8x128xf32, #tpu.memory_space<vmem>>
    %dma_wait3A_271 = tpu.memref_squeeze %dma_wait3A_270 : memref<1x8x128xf32, #tpu.memory_space<vmem>> -> memref<8x128xf32, #tpu.memory_space<vmem>>
    tpu.wait_dma2 semaphore(%arg14 : memref<!tpu.dma_semaphore, #tpu.memory_space<semaphore_mem>>) src(%dma_wait3A_271 : memref<8x128xf32, #tpu.memory_space<vmem>>) dst(%dma_wait3A_267 : memref<8x128xf32, #tpu.memory_space<hbm>>)
    return
  }
}

</mosaic_0001>

<sc_bundles>
// kernel: kernel.3.cloned.1.call-start
scs
__scs_entry_jumppad:
0x0: {  	(pc) =	sbr.rel $0x88, $3  }
0x1: {  	(tag) =	ssettag $0x0;
	lr =	simm.s32 $0x1  }
0x2: {  	[smem:$0x3F9F] =	sst lr;
	_ =	strace $0xD0000000  }
0x3: {  	_ = 	snop  }
0x4: {  	_ = 	snop  }
0x5: {  	_ = 	snop  }
0x6: {  	_ = 	snop  }
0x7: {  	_ = 	snop  }
__scs_overlays_trampoline_lowered:
0x8: {  	[smem:$0x3FAE] =	sst s0  }
0x9: {  	[smem:$0x3FAF] =	sst s1  }
0xa: {  	[smem:$0x3FB0] =	sst s2  }
0xb: {  	[smem:$0x3FB1] =	sst s3  }
0xc: {  	[smem:$0x3FB2] =	sst s4  }
0xd: {  	[smem:$0x3FB3] =	sst s5  }
0xe: {  	[smem:$0x3FB4] =	sst s6  }
0xf: {  	[smem:$0x3FB5] =	sst s7  }
0x10: {  	[smem:$0x3FB6] =	sst s8  }
0x11: {  	[smem:$0x3FB7] =	sst s9;
	s0 =	simm.s32 @!p0 $0x0  }
0x12: {  	s1 =	sld [smem:$0x3F9D];
	s0 =	simm.s32 @p0 $0x1  }
0x13: {  	[smem:$0x3FB8] =	sst s0;
	s0 =	simm.s32 @!p1 $0x0  }
0x14: {  	s2 =	sld [smem:$0x3F9C];
	s0 =	simm.s32 @p1 $0x1  }
0x15: {  	[smem:$0x3FB9] =	sst s0;
	s0 =	simm.s32 @!p2 $0x0  }
0x16: {  	s3 =	sld [smem:$0x3FDB];
	s0 =	simm.s32 @p2 $0x1  }
0x17: {  	s4 =	simm.s32 $0x1BF5;
	[smem:$0x3FBB] =	sst s0  }
0x18: {  	s0 =	sld [smem:$0x3F9E];
	_ =	swait.ge [sflag:s4], $0x0  }
0x19: {  	s7 =	sld [smem:$0x3F9F]  }
0x1a: {  	s8 =	sadd.s32 $0xFFFFE003, lr  }
0x1b: {  	s9 =	sadd.s32 $0xFFFFFEF7, lr;
	s5 =	simm.s32 $0xFFFFFFFF;
	p2 =	slt.u32 s8, $0xFFFFF086  }
0x1c: {  	p1 =	slt.u32 s9, $0xF7A;
	s5 =	simm.s32 @!p2 $0x0  }
0x1d: {  	s5 =	simm.s32 @p1 $0x1;
	p0 =	seq.s32 s7, s2  }
0x1e: {  	s7 =	smul.u32 @!p0 $0xF7A, s2;
	p2 =	seq.s32 @!p0 s5, $0x0  }
0x1f: {  	s9 =	smul.u32 $0xF7A, s1;
	s8 =	simm.s32 @!p0 $0x1BF5;
	p2 =	por !p2, p0  }
0x20: {  	[sflag:s8] =	ssyncset.s32 @!p0 $0xFFFFF086;
	s6 =	sadd.s32 @!p0 s3, s7;
	s7 =	simm.s32 @!p0 $0x108  }
0x21: {  	s3 =	sadd.s32 s3, s9;
	s6 =	sadd.s32 @!p0 $0x88, s6;
	s7 =	simm.s32 @p2 $0x1082  }
0x22: {  	[simem:s7], [sflag:s8] =	dma.local @!p0 [hbm:s6], $0xF7A  }
0x23: {  	s9 =	sor.u32 $0xD0000000, s2;
	s6 =	simm.s32 $0x108;
	_ =	swait.ge @!p0 [sflag:s8], $0x0  }
0x24: {  	s3 =	sadd.s32 $0x88, s3;
	s6 =	simm.s32 @!p1 $0x1082;
	[sflag:s4] =	ssyncset.s32 $0xFFFFF086  }
0x25: {  	[simem:s6], [sflag:s4] =	dma.local [hbm:s3], $0xF7A  }
0x26: {  	[smem:$0x3F9F] =	sst s1;
	(tag) =	ssettag s2;
	_ =	strace s9  }
0x27: {  	s1 =	sld [smem:$0x3FAF]  }
0x28: {  	s2 =	sld [smem:$0x3FB0]  }
0x29: {  	s4 =	sld [smem:$0x3FB2]  }
0x2a: {  	p0 =	seq.s32 s5, $0x0;
	s5 =	sld [smem:$0x3FB3]  }
0x2b: {  	s6 =	sld [smem:$0x3FB4]  }
0x2c: {  	s7 =	sld [smem:$0x3FB5]  }
0x2d: {  	s3 =	simm.s32 $0x108;
	s8 =	sld [smem:$0x3FB6]  }
0x2e: {  	s3 =	simm.s32 @!p0 $0x1082;
	s9 =	sld [smem:$0x3FB7]  }
0x2f: {  	lr =	sadd.s32 s0, s3;
	s0 =	sld [smem:$0x3FAE]  }
0x30: {  	s3 =	sld [smem:$0x3FB1]  }
0x31: {  	[smem:$0x3FBA] =	sst s10  }
0x32: {  	s10 =	sld [smem:$0x3FB8];
	_ =	sdelay $0x3  }
0x33: {  	p0 =	seq.s32 s10, $0x1;
	s10 =	sld [smem:$0x3FBA];
	_ =	sdelay $0x3  }
0x34: {  	[smem:$0x3FBA] =	sst s10  }
0x35: {  	s10 =	sld [smem:$0x3FB9];
	_ =	sdelay $0x3  }
0x36: {  	p1 =	seq.s32 s10, $0x1;
	s10 =	sld [smem:$0x3FBA];
	_ =	sdelay $0x3  }
0x37: {  	[smem:$0x3FBA] =	sst s10  }
0x38: {  	s10 =	sld [smem:$0x3FBB]  }
0x39: {  	_ = 	snop;
	(pc) =	sbr.ind lr, $3  }
0x3a: {  	_ = 	snop  }
0x3b: {  	_ = 	snop  }
0x3c: {  	p2 =	seq.s32 s10, $0x1;
	s10 =	sld [smem:$0x3FBA]  }
0x3d: {  	_ =	shalt  }
0x3e: {  	_ =	shalt  }
0x3f: {  	_ =	shalt  }
0x40: {  	_ =	shalt  }
0x41: {  	_ =	shalt  }
0x42: {  	_ =	shalt  }
0x43: {  	_ =	shalt  }
0x44: {  	_ =	shalt  }
0x45: {  	_ =	shalt  }
0x46: {  	_ =	shalt  }
0x47: {  	_ =	shalt  }
0x48: {  	_ =	shalt  }
0x49: {  	_ =	shalt  }
0x4a: {  	_ =	shalt  }
0x4b: {  	_ =	shalt  }
0x4c: {  	_ =	shalt  }
0x4d: {  	_ =	shalt  }
0x4e: {  	_ =	shalt  }
0x4f: {  	_ =	shalt  }
0x50: {  	_ =	shalt  }
0x51: {  	_ =	shalt  }
0x52: {  	_ =	shalt  }
0x53: {  	_ =	shalt  }
0x54: {  	_ =	shalt  }
0x55: {  	_ =	shalt  }
0x56: {  	_ =	shalt  }
0x57: {  	_ =	shalt  }
0x58: {  	_ =	shalt  }
0x59: {  	_ =	shalt  }
0x5a: {  	_ =	shalt  }
0x5b: {  	_ =	shalt  }
0x5c: {  	_ =	shalt  }
0x5d: {  	_ =	shalt  }
0x5e: {  	_ =	shalt  }
0x5f: {  	_ =	shalt  }
0x60: {  	_ =	shalt  }
0x61: {  	_ =	shalt  }
0x62: {  	_ =	shalt  }
0x63: {  	_ =	shalt  }
0x64: {  	_ =	shalt  }
0x65: {  	_ =	shalt  }
0x66: {  	_ =	shalt  }
0x67: {  	_ =	shalt  }
0x68: {  	_ =	shalt  }
0x69: {  	_ =	shalt  }
0x6a: {  	_ =	shalt  }
0x6b: {  	_ =	shalt  }
0x6c: {  	_ =	shalt  }
0x6d: {  	_ =	shalt  }
0x6e: {  	_ =	shalt  }
0x6f: {  	_ =	shalt  }
0x70: {  	_ =	shalt  }
0x71: {  	_ =	shalt  }
0x72: {  	_ =	shalt  }
0x73: {  	_ =	shalt  }
0x74: {  	_ =	shalt  }
0x75: {  	_ =	shalt  }
0x76: {  	_ =	shalt  }
0x77: {  	_ =	shalt  }
0x78: {  	_ =	shalt  }
0x79: {  	_ =	shalt  }
0x7a: {  	_ =	shalt  }
0x7b: {  	_ =	shalt  }
0x7c: {  	_ =	shalt  }
0x7d: {  	_ =	shalt  }
0x7e: {  	_ =	shalt  }
0x7f: {  	_ =	shalt  }
0x80: {  	_ =	shalt  }
0x81: {  	_ =	shalt  }
0x82: {  	_ =	shalt  }
0x83: {  	_ =	shalt  }
0x84: {  	_ =	shalt  }
0x85: {  	_ =	shalt  }
0x86: {  	_ =	shalt  }
0x87: {  	_ =	shalt  }
.Lfunc_end0:
.L_simem_size_0:
called_computation_lowered:
.L_overlay_start_0:
0x88: {  	s2 =	sld [smem:$0x3FD9]  }
0x89: {  	s3 =	sld [smem:$0x3FFE];
	_ =	sdelay $0x1  }
0x8a: {  	s1 =	srdreg.scid  }
0x8b: {  	s0 =	sand.u32 $0x1, s1  }
0x8c: {  	s18 =	sshll.u32 s0, $0xA;
	s2 =	sadd.s32 s3, s2  }
0x8d: {  	s2 =	sadd.s32 s2, s18  }
0x8e: {  	[smem:$0x3FC6] =	sst s2  }
0x8f: {  	_ = 	snop  }
0x90: {  	s2 =	sld [smem:$0x3FC9]  }
0x91: {  	s19 =	sld [smem:$0x3FC8]  }
0x92: {  	s4 =	sld [smem:$0x3FD0];
	(tm) =	ssettm $0x1  }
0x93: {  	s5 =	sld [smem:$0x3FFB];
	_ =	sdelay $0x3  }
0x94: {  	_ =	strace s5  }
0x95: {  	s5 =	sld [smem:$0x3FFC];
	_ =	sdelay $0x3  }
0x96: {  	_ =	strace s5  }
0x97: {  	s5 =	sld [smem:$0x3FFD];
	_ =	sdelay $0x3  }
0x98: {  	_ =	strace s5  }
0x99: {  	_ =	strace $0x8FFFFFFF  }
0x9a: {  	s20 =	sld [smem:$0x3FDB];
	_ =	sdelay $0x1  }
0x9b: {  	s6 =	simm.s32 $_scs_section_size  }
0x9c: {  	s7 =	simm.s32 $_size__tile_overlayer_lowered;
	s8 =	simm.s32 $_tile_overlayer_lowered  }
0x9d: {  	s23 =	simm.s32 $0x1BFF;
	s22 =	sshll.u32 s8, $0x1;
	s5 =	sadd.s32 s6, s20  }
0x9e: {  	s9 =	simm.s32 $0x0;
	s21 =	sshll.u32 s7, $0x1;
	s7 =	sadd.s32 s22, s5  }
0x9f: {  	[timem:s9], [sflag:s23] =	dma.local [hbm:s7], s21  }
0xa0: {  	_ =	swait.ge [sflag:s23], s21  }
0xa1: {  	s6 =	ssub.s32 $0x0, s21;
	[sflag:s23] =	ssyncset.done $0x0  }
0xa2: {  	[sflag:s23] =	ssyncadd.s32 s6;
	_ =	sdelay $0x1  }
0xa3: {  	s24 =	simm.s32 $0x1B8B  }
0xa4: {  	_ =	swait.ge [sflag:s24], $0x1  }
0xa5: {  	[sflag:s24] =	ssyncset.done $0x0  }
0xa6: {  	s25 =	simm.s32 $0x1B8E;
	[sflag:s24] =	ssyncadd.s32 $0xFFFFFFFF  }
0xa7: {  	s26 =	simm.s32 $execute0_lowered;
	[smem:$0x3FD2] =	sst s25  }
0xa8: {  	s6 =	sshll.u32 s26, $0x1;
	_ =	strace $0x80000046;
	[dreg:$0x1] =	wrdreg $0xFFFFFFFF  }
0xa9: {  	s28 =	simm.s32 $_size_execute0_lowered;
	s5 =	sadd.s32 s5, s6;
	[dreg:$0x0] =	wrdreg $0x0  }
0xaa: {  	s6 =	sshll.u32 s28, $0x1;
	[dreg:$0x2] =	wrdreg s5  }
0xab: {  	[dreg:$0x3] =	wrdreg s6  }
0xac: {  	[dreg:$0x4] =	wrdreg $0xC0  }
0xad: {  	_ =	task [dreg:s9], $0x5FFFF  }
0xae: {  	[dreg:$0x1] =	wrdreg $0xFFFFFFFF  }
0xaf: {  	[dreg:$0x0] =	wrdreg $0x60  }
0xb0: {  	[dreg:$0x2] =	wrdreg s2  }
0xb1: {  	[dreg:$0x3] =	wrdreg s19  }
0xb2: {  	[dreg:$0x4] =	wrdreg s4  }
0xb3: {  	[dreg:$0x5] =	wrdreg $0xFD800  }
0xb4: {  	[dreg:$0x6] =	wrdreg $0x9  }
0xb5: {  	_ =	task.clear_ibuf [dreg:s9], $0x7FFFF;
	_ =	strace $0x90000046  }
0xb6: {  	s29 =	simm.s32 $0x9;
	_ =	strace $0x80000048  }
0xb7: {  	_ =	swait.ge [sflag:s29], $0x1  }
0xb8: {  	[sflag:s29] =	ssyncadd.s32 $0xFFFFFFFF  }
0xb9: {  	_ =	strace $0x90000048  }
0xba: {  	_ =	sfence  }
0xbb: {  	s30 =	sld [smem:$0x0];
	_ =	sdelay $0x2  }
0xbc: {  	s31 =	sshll.u32 s1, $0xD;
	s1 =	sshrl.u32 s1, $0x2  }
0xbd: {  	s3 =	sand.u32 $0x4000, s31;
	s1 =	sadd.s32 s1, s30  }
0xbe: {  	s0 =	sor.u32 s3, s0;
	s1 =	sshll.u32 s1, $0x11  }
0xbf: {  	s0 =	sor.u32 s1, s0  }
0xc0: {  	s0 =	sadd.s32 $0x8F2B, s0  }
0xc1: {  	[sflag:s0] =	ssyncadd.remote.s32 $0x1  }
0xc2: {  	_ =	sfence.sel $0xFFFF  }
0xc3: {  	[dreg:$0x0] =	wrdreg $0xFFFFFFFF;
	(pc) =	sbr.abs _section_cstart, $3  }
0xc4: {  	[dreg:$0x1] =	wrdreg $0xFFFFFFFF  }
0xc5: {  	_ =	task.clear_ibuf [dreg:s9], $0x2FFFF;
	_ =	strace $0x9FFFFFFF  }
0xc6: {  	(tm) =	ssettm $0x7FFFFFFF  }
0xc7: {  	_ =	shalt  }
tec
execute0_lowered:
.L_overlay_start_1:
0x0: {  	(tag) =	ssettag $0x1  }
0x1: {  	s4 =	rddreg [dreg:$0x0]  }
0x2: {  	s0 =	rddreg [dreg:$0x1]  }
0x3: {  	s1 =	srdreg.scid;
	s8 =	rddreg [dreg:$0x2]  }
0x4: {  	s10 =	stileid.u32;
	s2 =	rddreg [dreg:$0x3]  }
0x5: {  	s3 =	simm.s32 $0x0;
	s12 =	simm.s32 $0x78;
	s13 =	simm.s32 $0xD80  }
0x6: {  	s14 =	simm.s32 $0x4980;
	s15 =	simm.s32 $0xF0;
	s16 =	simm.s32 $0x8580  }
0x7: {  	s17 =	simm.s32 $0x168;
	s18 =	simm.s32 $0xC180;
	s19 =	simm.s32 $0x1  }
0x8: {  	s20 =	simm.s32 $0x2;
	s21 =	simm.s32 $0x3;
	s22 =	simm.s32 $0x4  }
0x9: {  	s23 =	simm.s32 $0x5;
	s24 =	simm.s32 $0x6;
	s25 =	simm.s32 $0x7  }
0xa: {  	s28 =	simm.s32 $0x0;
	s5 =	sand.u32 $0x1, s1;
	s26 =	sshll.u32 s10, $0x1  }
0xb: {  	s7 =	smul.u32 $0x1870, s10;
	[smem:$0x7FF] =	sst s3;
	p0 =	sne.s32 s10, $0x0  }
0xc: {  	s1 =	sor.u32 s5, s26;
	s9 =	ssub.s32 $0x2, s5;
	s5 =	smul.u32 $0xC38, s5  }
0xd: {  	_ =	strace $0x80000047;
	s10 =	sshrl.u32 @!p0 s2, $0x3;
	s6 =	smul.u32 $0xC38, s1  }
0xe: {  	s26 =	simm.s32 $0x8;
	s11 =	sshrl.u32 s9, $0x1;
	s5 =	sadd.s32 s5, s7  }
0xf: {  	s9 =	ssub.s32 s9, s11;
	s6 =	smin.u32 s6, $0x17A68;
	s31 =	smin.u32 s5, $0x17A68  }
0x10: {  	s29 =	sshll.u32 s6, $0x4;
	s6 =	sshrl.u32 s6, $0x3;
	s11 =	sshll.u32 s31, $0x4  }
0x11: {  	s30 =	sadd.s32 s29, s8;
	s4 =	sadd.s32 s4, s6;
	s11 =	sadd.s32 s11, s8  }
0x12: {  	s8 =	smax.u32 s9, $0x1;
	s5 =	sadd.s32 $0xB400, s30;
	s6 =	sadd.s32 $0xBB80, s30  }
0x13: {  	v0 =	vimm.s32 $0x0;
	s7 =	sadd.s32 $0xC300, s30;
	s9 =	sadd.s32 $0x1680, s11;
	s11 =	simm.s32 $0xA  }
.LBB2_1:
0x14: {  	s29 =	simm.s32 @!p0 $0x1C09  }
0x15: {  	[spmem:s10], [sflag:s29] =	dma.local @!p0 [hbm:s0], $0x590;
	[tilespmem:$0xC30] =	vst v0  }
0x16: {  	[tilespmem:$0xC40] =	vst v0  }
0x17: {  	[tilespmem:$0xC50] =	vst v0  }
0x18: {  	[tilespmem:$0xC60] =	vst v0  }
0x19: {  	[tilespmem:$0xC70] =	vst v0  }
0x1a: {  	[tilespmem:$0xC80] =	vst v0  }
0x1b: {  	[tilespmem:$0xC90] =	vst v0  }
0x1c: {  	[tilespmem:$0xCA0] =	vst v0  }
0x1d: {  	[tilespmem:$0xCB0] =	vst v0  }
0x1e: {  	[tilespmem:$0xCC0] =	vst v0  }
0x1f: {  	[tilespmem:$0xCD0] =	vst v0  }
0x20: {  	[tilespmem:$0xCE0] =	vst v0  }
0x21: {  	[tilespmem:$0xCF0] =	vst v0  }
0x22: {  	[tilespmem:$0xD00] =	vst v0  }
0x23: {  	[tilespmem:$0xD10] =	vst v0  }
0x24: {  	[tilespmem:s3], [sflag:$0xA] =	stream.linear.gather [hbm4b:s4+s3], $0xC38, $0x38;
	[tilespmem:$0x10048] =	vst v63  }
0x25: {  	_ =	swait.ge [sflag:s11], $0xC38  }
0x26: {  	[sflag:s11] =	ssyncset.done $0x0  }
0x27: {  	s29 =	simm.s32 @!p0 $0x9;
	[sflag:s11] =	ssyncadd.s32 $0xFFFFF3C8  }
0x28: {  	_ =	swait.ge @!p0 [sflag:s29], $0x590  }
0x29: {  	[sflag:s29] =	ssyncset.done @!p0 $0x0  }
0x2a: {  	[sflag:s29] =	ssyncadd.s32 @!p0 $0xFFFFFA70  }
0x2b: {  	[bflag:$0x0] =	sbarrier.arrive $0xFFFF  }
0x2c: {  	[tilespmem:s13], [sflag:$0x1] =	stream.indirect.gather [spmem:s2], $0x80, s3, s12, $0xb8;
	[tilespmem:$0x10048] =	vst v63  }
0x2d: {  	_ = 	snop  }
0x2e: {  	[tilespmem:s14], [sflag:$0x2] =	stream.indirect.gather [spmem:s2], $0x80, s12, s12, $0xb8;
	[tilespmem:$0x10048] =	vst v63  }
0x2f: {  	_ = 	snop  }
0x30: {  	[tilespmem:s16], [sflag:$0x3] =	stream.indirect.gather [spmem:s2], $0x80, s15, s12, $0xb8;
	[tilespmem:$0x10048] =	vst v63  }
0x31: {  	_ = 	snop  }
0x32: {  	[tilespmem:s18], [sflag:$0x4] =	stream.indirect.gather [spmem:s2], $0x80, s17, s12, $0xb8;
	[tilespmem:$0x10048] =	vst v63  }
0x33: {  	_ =	swait.ge [sflag:s19], $0x3C00  }
0x34: {  	[sflag:s19] =	ssyncset.done $0x0  }
0x35: {  	s29 =	sadd.s32 $0xFFFFE980, s9;
	[sflag:s19] =	ssyncadd.s32 $0xFFFFC400  }
0x36: {  	[hbm4b:s29+s3] =	stream.linear.scatter [tilespmem:s13], [sflag:$0x5], $0x3C00, $0x38;
	[tilespmem:$0x10048] =	vst v63  }
0x37: {  	_ =	swait.ge [sflag:s20], $0x3C00  }
0x38: {  	[sflag:s20] =	ssyncset.done $0x0  }
0x39: {  	s29 =	sadd.s32 $0xFFFFF100, s9;
	[sflag:s20] =	ssyncadd.s32 $0xFFFFC400  }
0x3a: {  	[hbm4b:s29+s3] =	stream.linear.scatter [tilespmem:s14], [sflag:$0x6], $0x3C00, $0x38;
	[tilespmem:$0x10048] =	vst v63  }
0x3b: {  	_ =	swait.ge [sflag:s21], $0x3C00  }
0x3c: {  	[sflag:s21] =	ssyncset.done $0x0  }
0x3d: {  	s29 =	sadd.s32 $0xFFFFF880, s9;
	[sflag:s21] =	ssyncadd.s32 $0xFFFFC400  }
0x3e: {  	[hbm4b:s29+s3] =	stream.linear.scatter [tilespmem:s16], [sflag:$0x7], $0x3C00, $0x38;
	[tilespmem:$0x10048] =	vst v63  }
0x3f: {  	_ =	swait.ge [sflag:s22], $0x3C00  }
0x40: {  	[sflag:s22] =	ssyncset.done $0x0  }
0x41: {  	[sflag:s22] =	ssyncadd.s32 $0xFFFFC400  }
0x42: {  	[hbm4b:s9+s3] =	stream.linear.scatter [tilespmem:s18], [sflag:$0x8], $0x3C00, $0x38;
	[tilespmem:$0x10048] =	vst v63  }
0x43: {  	_ =	swait.ge [sflag:s23], $0x3C00  }
0x44: {  	[sflag:s23] =	ssyncset.done $0x0  }
0x45: {  	s29 =	simm.s32 $0x1E0;
	[sflag:s23] =	ssyncadd.s32 $0xFFFFC400  }
0x46: {  	[tilespmem:s13], [sflag:$0x1] =	stream.indirect.gather [spmem:s2], $0x80, s29, s12, $0xb8;
	[tilespmem:$0x10048] =	vst v63  }
0x47: {  	_ =	swait.ge [sflag:s24], $0x3C00  }
0x48: {  	[sflag:s24] =	ssyncset.done $0x0  }
0x49: {  	s29 =	simm.s32 $0x258;
	[sflag:s24] =	ssyncadd.s32 $0xFFFFC400  }
0x4a: {  	[tilespmem:s14], [sflag:$0x2] =	stream.indirect.gather [spmem:s2], $0x80, s29, s12, $0xb8;
	[tilespmem:$0x10048] =	vst v63  }
0x4b: {  	_ =	swait.ge [sflag:s25], $0x3C00  }
0x4c: {  	[sflag:s25] =	ssyncset.done $0x0  }
0x4d: {  	s29 =	simm.s32 $0x2D0;
	[sflag:s25] =	ssyncadd.s32 $0xFFFFC400  }
0x4e: {  	[tilespmem:s16], [sflag:$0x3] =	stream.indirect.gather [spmem:s2], $0x80, s29, s12, $0xb8;
	[tilespmem:$0x10048] =	vst v63  }
0x4f: {  	_ =	swait.ge [sflag:s26], $0x3C00  }
0x50: {  	s31 =	simm.s32 $0x348;
	[sflag:s26] =	ssyncset.done $0x0  }
0x51: {  	s30 =	sadd.s32 $0x1E00, s9;
	s29 =	simm.s32 $0x780;
	[sflag:s26] =	ssyncadd.s32 $0xFFFFC400  }
.LBB2_2:
0x52: {  	[tilespmem:s18], [sflag:$0x4] =	stream.indirect.gather [spmem:s2], $0x80, s31, s12, $0xb8;
	[tilespmem:$0x10048] =	vst v63  }
0x53: {  	s31 =	smov.u32 s29  }
0x54: {  	p1 =	sne.s32 s29, $0x2580;
	s29 =	sadd.s32 $0x780, s29;
	_ =	swait.ge [sflag:s19], $0x3C00  }
0x55: {  	[sflag:s19] =	ssyncset.done $0x0  }
0x56: {  	s1 =	sadd.s32 $0xFFFFE980, s30;
	[sflag:s19] =	ssyncadd.s32 $0xFFFFC400  }
0x57: {  	[hbm4b:s1+s3] =	stream.linear.scatter [tilespmem:s13], [sflag:$0x5], $0x3C00, $0x38;
	[tilespmem:$0x10048] =	vst v63  }
0x58: {  	_ =	swait.ge [sflag:s20], $0x3C00  }
0x59: {  	[sflag:s20] =	ssyncset.done $0x0  }
0x5a: {  	s1 =	sadd.s32 $0xFFFFF100, s30;
	[sflag:s20] =	ssyncadd.s32 $0xFFFFC400  }
0x5b: {  	[hbm4b:s1+s3] =	stream.linear.scatter [tilespmem:s14], [sflag:$0x6], $0x3C00, $0x38;
	[tilespmem:$0x10048] =	vst v63  }
0x5c: {  	_ =	swait.ge [sflag:s21], $0x3C00  }
0x5d: {  	[sflag:s21] =	ssyncset.done $0x0  }
0x5e: {  	s1 =	sadd.s32 $0xFFFFF880, s30;
	[sflag:s21] =	ssyncadd.s32 $0xFFFFC400  }
0x5f: {  	[hbm4b:s1+s3] =	stream.linear.scatter [tilespmem:s16], [sflag:$0x7], $0x3C00, $0x38;
	[tilespmem:$0x10048] =	vst v63  }
0x60: {  	_ =	swait.ge [sflag:s22], $0x3C00  }
0x61: {  	[sflag:s22] =	ssyncset.done $0x0  }
0x62: {  	[sflag:s22] =	ssyncadd.s32 $0xFFFFC400  }
0x63: {  	[hbm4b:s30+s3] =	stream.linear.scatter [tilespmem:s18], [sflag:$0x8], $0x3C00, $0x38;
	[tilespmem:$0x10048] =	vst v63  }
0x64: {  	_ =	swait.ge [sflag:s23], $0x3C00  }
0x65: {  	s1 =	sshra.s32 s31, $0x2;
	[sflag:s23] =	ssyncset.done $0x0  }
0x66: {  	s31 =	sadd.s32 $0x1E0, s1;
	[sflag:s23] =	ssyncadd.s32 $0xFFFFC400  }
0x67: {  	[tilespmem:s13], [sflag:$0x1] =	stream.indirect.gather [spmem:s2], $0x80, s31, s12, $0xb8;
	[tilespmem:$0x10048] =	vst v63  }
0x68: {  	_ =	swait.ge [sflag:s24], $0x3C00  }
0x69: {  	[sflag:s24] =	ssyncset.done $0x0  }
0x6a: {  	s31 =	sadd.s32 $0x258, s1;
	[sflag:s24] =	ssyncadd.s32 $0xFFFFC400  }
0x6b: {  	[tilespmem:s14], [sflag:$0x2] =	stream.indirect.gather [spmem:s2], $0x80, s31, s12, $0xb8;
	[tilespmem:$0x10048] =	vst v63  }
0x6c: {  	_ =	swait.ge [sflag:s25], $0x3C00  }
0x6d: {  	[sflag:s25] =	ssyncset.done $0x0  }
.Ltmp0:
0x6e: {  	s31 =	sadd.s32 $0x2D0, s1;
	[sflag:s25] =	ssyncadd.s32 $0xFFFFC400;
	(pc) =	sbr.rel @p1 .LBB2_2-.Ltmp0, $4  }
0x6f: {  	[tilespmem:s16], [sflag:$0x3] =	stream.indirect.gather [spmem:s2], $0x80, s31, s12, $0xb8;
	[tilespmem:$0x10048] =	vst v63  }
0x70: {  	_ =	swait.ge [sflag:s26], $0x3C00  }
0x71: {  	[sflag:s26] =	ssyncset.done $0x0  }
0x72: {  	s30 =	sadd.s32 $0x1E00, s30;
	s31 =	sadd.s32 $0x348, s1;
	[sflag:s26] =	ssyncadd.s32 $0xFFFFC400  }
0x73: {  	[tilespmem:s18], [sflag:$0x4] =	stream.indirect.gather [spmem:s2], $0x80, s31, s12, $0xb8;
	[tilespmem:$0x10048] =	vst v63  }
0x74: {  	_ =	swait.ge [sflag:s19], $0x3C00  }
0x75: {  	[sflag:s19] =	ssyncset.done $0x0  }
0x76: {  	[sflag:s19] =	ssyncadd.s32 $0xFFFFC400  }
0x77: {  	[hbm4b:s5+s3] =	stream.linear.scatter [tilespmem:s13], [sflag:$0x5], $0x3C00, $0x38;
	[tilespmem:$0x10048] =	vst v63  }
0x78: {  	_ =	swait.ge [sflag:s20], $0x3C00  }
0x79: {  	[sflag:s20] =	ssyncset.done $0x0  }
0x7a: {  	[sflag:s20] =	ssyncadd.s32 $0xFFFFC400  }
0x7b: {  	[hbm4b:s6+s3] =	stream.linear.scatter [tilespmem:s14], [sflag:$0x6], $0x3C00, $0x38;
	[tilespmem:$0x10048] =	vst v63  }
0x7c: {  	_ =	swait.ge [sflag:s21], $0x3C00  }
0x7d: {  	[sflag:s21] =	ssyncset.done $0x0  }
0x7e: {  	[sflag:s21] =	ssyncadd.s32 $0xFFFFC400  }
0x7f: {  	[hbm4b:s7+s3] =	stream.linear.scatter [tilespmem:s16], [sflag:$0x7], $0x400, $0x38;
	[tilespmem:$0x10048] =	vst v63  }
0x80: {  	_ =	swait.ge [sflag:s22], $0x3C00  }
0x81: {  	[sflag:s22] =	ssyncset.done $0x0  }
0x82: {  	[sflag:s22] =	ssyncadd.s32 $0xFFFFC400  }
0x83: {  	_ =	swait.ge [sflag:s23], $0x3C00  }
0x84: {  	[sflag:s23] =	ssyncset.done $0x0  }
0x85: {  	s28 =	sadd.s32 $0x1, s28;
	[sflag:s23] =	ssyncadd.s32 $0xFFFFC400  }
0x86: {  	p1 =	sne.s32 s28, s8;
	_ =	swait.ge [sflag:s24], $0x3C00  }
.Ltmp1:
0x87: {  	[sflag:s24] =	ssyncset.done $0x0;
	(pc) =	sbr.rel @p1 .LBB2_1-.Ltmp1, $4  }
0x88: {  	[sflag:s24] =	ssyncadd.s32 $0xFFFFC400  }
0x89: {  	_ =	swait.ge [sflag:s25], $0x400  }
0x8a: {  	[sflag:s25] =	ssyncset.done $0x0  }
0x8b: {  	[sflag:s25] =	ssyncadd.s32 $0xFFFFFC00  }
0x8c: {  	_ =	sfence.sel $0x180000  }
0x8d: {  	[bflag:$0x0] =	sbarrier.arrive $0xFFFF  }
0x8e: {  	_ =	strace $0x90000047  }
0x8f: {  	[bflag:$0x2] =	sbarrier.arrive $0xFFFF  }
0x90: {  	s0 =	rddreg [dreg:$0x4]  }
0x91: {  	s0 =	sadd.s32 @!p0 $0x100000, s0  }
0x92: {  	[sflag:s0] =	ssyncadd.tile.s32 @!p0 $0x1;
	_ =	shalt  }
.Lfunc_end2:
_tile_overlayer_lowered:
.L_overlay_start_2:
0x93: {  	(tag) =	ssettag $0x2  }
0x94: {  	s0 =	rddreg [dreg:$0x0];
	s2 =	stileid.u32  }
0x95: {  	s1 =	rddreg [dreg:$0x1];
	p0 =	sne.s32 s2, $0x0  }
0x96: {  	s3 =	rddreg [dreg:$0x2];
	[bflag:$0x3] =	sbarrier.arrive $0xFFFF;
	s2 =	simm.s32 @!p0 $0x1C0A  }
0x97: {  	[timem:s3], [sflag:s2] =	dma.local @!p0 [hbm:s0], s1  }
0x98: {  	s0 =	simm.s32 @!p0 $0xA  }
0x99: {  	_ =	swait.ge @!p0 [sflag:s0], s1  }
0x9a: {  	s1 =	ssub.s32 @!p0 $0x0, s1;
	[sflag:s0] =	ssyncset.done @!p0 $0x0  }
0x9b: {  	[sflag:s0] =	ssyncadd.s32 @!p0 s1  }
0x9c: {  	[bflag:$0x3] =	sbarrier.arrive $0xFFFF  }
0x9d: {  	_ =	shalt  }

</sc_bundles>
